<compile_context>
chip_gen: v7x
topology: tpu7x:2x2x1
jax: 0.10.2.dev20260603
libtpu: 0.0.44.dev20260713+nightly
codegen_flags: <defaults>
</compile_context>

<pallas_src>
import functools

import jax
import jax.numpy as jnp
from jax import lax
from jax.experimental import pallas as pl
from jax.experimental.pallas import tpu as pltpu
from jax.experimental.pallas import tpu_sc as plsc

C = 18
K = 128
NREG = C * K
TRASH = 2 * NREG
SLOTS = 37 * K
NC, NS, L = 2, 16, 16
NW = NC * NS
HWORDS = L * SLOTS

B = 2
X, Z, Y = 200, 16, 200
BX = 20
NX = X // BX

N_TOTAL = B * NX * 2 * C * BX * 8 * 128
F_TOTAL = B * NX * 2 * BX * 8 * 128
N_PER_W = N_TOTAL // NW
F_PER_W = F_TOTAL // NW
N_CH = 9600
F_CH = 6400
N_NCH = N_PER_W // N_CH
F_NCH = F_PER_W // F_CH
UNROLL = 16


def _emit_tiles(ref_l0, ref_l1, val, lead):
    pad_shape = val.shape[:-2] + (8, 128 - (Y - 128))
    pad = jnp.full(pad_shape, TRASH, jnp.int32)
    for s in (0, 1):
        rows = val[..., 8 * s:8 * s + 8, :]
        ref_l0[lead + (s,)] = rows[..., 0:128]
        ref_l1[lead + (s,)] = jnp.concatenate([rows[..., 128:Y], pad], axis=-1)


def _stage1_body(score_ref, label_ref, nidx_ref, fidx_ref):
    x = score_ref[0]
    m = jnp.max(x, axis=0, keepdims=True)
    ex = jnp.exp(x - m)
    s = jnp.sum(ex, axis=0, keepdims=True)
    p = ex * (1.0 / s)
    lab = label_ref[0][None]
    cls = lax.broadcasted_iota(jnp.int32, (C, BX, Z, Y), 0)
    fg = lab == cls
    err = jnp.where(fg, 1.0 - p, p)
    bkt = jnp.minimum((err * float(K)).astype(jnp.int32), K - 1)
    nidx = cls * K + bkt
    fgerr = jnp.sum(jnp.where(fg, err, 0.0), axis=0)
    fb = jnp.minimum((fgerr * float(K)).astype(jnp.int32), K - 1)
    fidx = NREG + label_ref[0] * K + fb
    _emit_tiles(nidx_ref[0], nidx_ref[1], nidx, (0, 0))
    _emit_tiles(fidx_ref[0], fidx_ref[1], fidx, (0, 0))


def _stage1(scores_t, label_t):
    nspec = pl.BlockSpec((1, 1, 2, C, BX, 8, 128),
                         lambda b, j: (b, j, 0, 0, 0, 0, 0))
    fspec = pl.BlockSpec((1, 1, 2, BX, 8, 128),
                         lambda b, j: (b, j, 0, 0, 0, 0))
    nshape = jax.ShapeDtypeStruct((B, NX, 2, C, BX, 8, 128), jnp.int32)
    fshape = jax.ShapeDtypeStruct((B, NX, 2, BX, 8, 128), jnp.int32)

    def body(score_ref, label_ref, nl0, nl1, fl0, fl1):
        _stage1_body(score_ref, label_ref, (nl0, nl1), (fl0, fl1))

    return pl.pallas_call(
        body,
        grid=(B, NX),
        in_specs=[
            pl.BlockSpec((1, C, BX, Z, Y), lambda b, j: (b, 0, j, 0, 0)),
            pl.BlockSpec((1, BX, Z, Y), lambda b, j: (b, j, 0, 0)),
        ],
        out_specs=[nspec, nspec, fspec, fspec],
        out_shape=[nshape, nshape, fshape, fshape],
        compiler_params=pltpu.CompilerParams(
            dimension_semantics=("parallel", "parallel")),
    )(scores_t, label_t)


def _sc_hist_body(nl0_hbm, nl1_hbm, fl0_hbm, fl1_hbm, out_hbm,
                  buf0, buf1, hist, sem0, sem1):
    wid = lax.axis_index("s") * NC + lax.axis_index("c")
    lanebase = lax.iota(jnp.int32, 16) * SLOTS
    ones = jnp.ones((16,), jnp.float32)
    zeros = jnp.zeros((16,), jnp.float32)

    def zero_body(i, carry):
        for u in range(UNROLL):
            hist[pl.ds((i * UNROLL + u) * 16, 16)] = zeros
        return carry

    lax.fori_loop(0, HWORDS // (16 * UNROLL), zero_body, 0)

    def scatter_full(buf, ch):
        def vec_body(i):
            idx = buf[pl.ds(i * 16, 16)]
            plsc.addupdate_scatter(hist, [idx + lanebase], ones)

        plsc.parallel_loop(0, ch // 16, unroll=UNROLL)(vec_body)

    def scatter_rows(buf, ch):
        def row_body(i):
            for u in range(5):
                idx = buf[pl.ds(i * 128 + u * 16, 16)]
                plsc.addupdate_scatter(hist, [idx + lanebase], ones)

        plsc.parallel_loop(0, ch // 128, unroll=2)(row_body)

    def make_stream_loop(src_hbm, per_w, ch, nch, scatter_chunk):
        base = wid * per_w

        def chunk(k):
            return src_hbm.at[pl.ds(base + k * ch, ch)]

        def wait(dst, sem):
            pltpu.make_async_copy(chunk(0), dst, sem).wait()

        pltpu.async_copy(chunk(0), buf0.at[pl.ds(0, ch)], sem0)

        def pair_body(q, carry):
            k0 = 2 * q
            pltpu.async_copy(chunk(k0 + 1), buf1.at[pl.ds(0, ch)], sem1)
            wait(buf0.at[pl.ds(0, ch)], sem0)
            scatter_chunk(buf0, ch)

            @pl.when(k0 + 2 < nch)
            def _():
                pltpu.async_copy(chunk(k0 + 2), buf0.at[pl.ds(0, ch)], sem0)

            wait(buf1.at[pl.ds(0, ch)], sem1)
            scatter_chunk(buf1, ch)
            return carry

        lax.fori_loop(0, nch // 2, pair_body, 0)

    make_stream_loop(nl0_hbm, N_PER_W, N_CH, N_NCH, scatter_full)
    make_stream_loop(nl1_hbm, N_PER_W, N_CH, N_NCH, scatter_rows)
    make_stream_loop(fl0_hbm, F_PER_W, F_CH, F_NCH, scatter_full)
    make_stream_loop(fl1_hbm, F_PER_W, F_CH, F_NCH, scatter_rows)
    pltpu.sync_copy(hist, out_hbm.at[wid])


@functools.cache
def _sc_hist():
    return pl.kernel(
        _sc_hist_body,
        out_type=jax.ShapeDtypeStruct((NW, HWORDS), jnp.float32),
        mesh=plsc.VectorSubcoreMesh(
            core_axis_name="c", subcore_axis_name="s",
            num_cores=NC, num_subcores=NS),
        scratch_types=[
            pltpu.VMEM((N_CH,), jnp.int32),
            pltpu.VMEM((N_CH,), jnp.int32),
            pltpu.VMEM((HWORDS,), jnp.float32),
            pltpu.SemaphoreType.DMA,
            pltpu.SemaphoreType.DMA,
        ],
        compiler_params=pltpu.CompilerParams(needs_layout_passes=False),
    )


def _stage3_body(h_ref, out_ref):
    hs = jnp.sum(h_ref[...], axis=0)
    n = hs[0:C]
    f = hs[C:2 * C]
    g = jnp.sum(f, axis=1, keepdims=True)
    ii = lax.broadcasted_iota(jnp.int32, (K, K), 0)
    jj = lax.broadcasted_iota(jnp.int32, (K, K), 1)
    upper = (ii >= jj).astype(jnp.float32)
    cn = jnp.dot(n, upper, preferred_element_type=jnp.float32)
    cf = jnp.dot(f, upper, preferred_element_type=jnp.float32)
    jac = 1.0 - (g - cf) / jnp.maximum(g + cn - cf, 1.0)
    loss_c = (jnp.sum(jac, axis=1, keepdims=True) - 0.5 * jac[:, 0:1]) / K
    present = (g > 0.0).astype(jnp.float32)
    total = jnp.sum(loss_c * present)
    count = jnp.sum(present)
    out_ref[0, 0] = total / jnp.maximum(count, 1.0)


def _stage3(hists):
    return pl.pallas_call(
        _stage3_body,
        in_specs=[pl.BlockSpec((NW * L, 37, K), lambda: (0, 0, 0))],
        out_specs=pl.BlockSpec(memory_space=pltpu.SMEM),
        out_shape=jax.ShapeDtypeStruct((1, 1), jnp.float32),
    )(hists)


def kernel(cls_score, label):
    scores_t = jnp.transpose(cls_score, (0, 1, 2, 4, 3))
    label_t = jnp.transpose(label, (0, 1, 3, 2)).astype(jnp.int32)
    nl0, nl1, fl0, fl1 = _stage1(scores_t, label_t)
    hists = _sc_hist()(nl0.reshape(N_TOTAL), nl1.reshape(N_TOTAL),
                       fl0.reshape(F_TOTAL), fl1.reshape(F_TOTAL))
    res = _stage3(hists.reshape(NW * L, 37, K))
    return res.reshape(())

# --- scband reference (transcript-rebuilt; emitter-appended) ---
"""Pipeline reference for scband-occ-lovasz-loss-7610682049188 (READ-ONLY COPY).

The authoritative reference and input builder live on the scoring server;
editing this copy changes nothing except your own understanding.
"""

import jax, jax.numpy as jnp
import numpy as np


def setup_inputs(seed: int = 0) -> dict:
    key = jax.random.key(seed)
    k1, k2 = jax.random.split(key)
    cls_score = jax.random.normal(k1, (2, 18, 200, 200, 16), dtype=jnp.float32)
    label = jax.random.randint(k2, (2, 200, 200, 16), 0, 18, dtype=jnp.int32)
    return {"cls_score": cls_score, "label": label}


def _lovasz_softmax_loss(probs, labels, C, loss_weight=1.0):
    # probs: [P, C] softmax probabilities, labels: [P] int
    total = jnp.asarray(0.0, dtype=probs.dtype)
    count = jnp.asarray(0.0, dtype=probs.dtype)
    for c in range(C):
        fg = (labels == c).astype(probs.dtype)
        errors = jnp.abs(fg - probs[:, c])
        perm = jnp.argsort(-errors)  # descending sort of errors
        errors_sorted = errors[perm]
        fg_sorted = fg[perm]
        gts = jnp.sum(fg_sorted)
        intersection = gts - jnp.cumsum(fg_sorted)
        union = gts + jnp.cumsum(1.0 - fg_sorted)
        jaccard = 1.0 - intersection / union
        jaccard = jnp.concatenate([jaccard[:1], jaccard[1:] - jaccard[:-1]])
        loss_c = jnp.dot(errors_sorted, jaccard)
        present = (gts > 0).astype(probs.dtype)  # classes='present'
        total = total + loss_c * present
        count = count + present
    return loss_weight * total / jnp.maximum(count, 1.0)


def reference(cls_score, label):
    # OccLovaszLoss.forward: softmax over class dim, flatten 5D -> [P, C],
    # multi-class Lovasz-Softmax with classes='present', per_sample=False,
    # reduction='none' (returns scalar batch loss), loss_weight=1.0,
    # ignore_index=255 (no labels equal 255 here, so all voxels are valid).
    C = cls_score.shape[1]
    probs = jax.nn.softmax(cls_score, axis=1)
    probs = jnp.moveaxis(probs, 1, -1).reshape(-1, C)
    labels = label.reshape(-1)
    return _lovasz_softmax_loss(probs, labels, C, loss_weight=1.0)

if __name__ == "__main__":
    import jax
    _d = setup_inputs()
    print(jax.jit(kernel)(*tuple(_d.values())))

</pallas_src>

<mosaic_0001>
#map = affine_map<(d0, d1) -> (0)>
#map1 = affine_map<(d0, d1) -> (0, 0)>
module attributes {stable_mosaic.version = 14 : i64} {
  func.func @_sc_hist_body(%arg0: i32, %arg1: i32, %arg2: memref<14745600xi32, #tpu.memory_space<hbm>>, %arg3: memref<14745600xi32, #tpu.memory_space<hbm>>, %arg4: memref<819200xi32, #tpu.memory_space<hbm>>, %arg5: memref<819200xi32, #tpu.memory_space<hbm>>, %arg6: memref<32x75776xf32, #tpu.memory_space<hbm>>, %arg7: memref<9600xi32, #tpu.memory_space<vmem>>, %arg8: memref<9600xi32, #tpu.memory_space<vmem>>, %arg9: memref<75776xf32, #tpu.memory_space<vmem>>, %arg10: memref<!tpu.dma_semaphore, #tpu.memory_space<semaphore_mem>>, %arg11: memref<!tpu.dma_semaphore, #tpu.memory_space<semaphore_mem>>) attributes {dimension_semantics = [#tpu.dimension_semantics<core_parallel>, #tpu.dimension_semantics<subcore_parallel>], iteration_bounds = array<i64: 2, 16>, scalar_prefetch = 0 : i64, scratch_operands = 5 : i64, tpu.core_type = #tpu.core_type<sc_vector_subcore>, window_params = [{transform_indices = #map}, {transform_indices = #map}, {transform_indices = #map}, {transform_indices = #map}, {transform_indices = #map1}]} {
    %mul3A = arith.constant 2 : i32
    %mul3A_0 = arith.muli %arg1, %mul3A : i32
    %add3A = arith.addi %mul3A_0, %arg0 : i32
    %iota3A = tpu.iota {dimensions = array<i32: 0>} : vector<16xi32>
    %mul3A_1 = arith.constant 4736 : i32
    %mul3A_2 = vector.broadcast %mul3A_1 : i32 to vector<16xi32>
    %mul3A_3 = arith.muli %iota3A, %mul3A_2 : vector<16xi32>
    %broadcast_in_dim3A = arith.constant 1.000000e+00 : f32
    %broadcast_in_dim3A_4 = vector.broadcast %broadcast_in_dim3A : f32 to vector<16xf32>
    %broadcast_in_dim3A_5 = arith.constant 0.000000e+00 : f32
    %broadcast_in_dim3A_6 = vector.broadcast %broadcast_in_dim3A_5 : f32 to vector<16xf32>
    %scan3A = arith.constant 0 : i32
    %scan3A_7 = arith.constant 0 : i32
    %scan3A_8 = arith.constant 296 : i32
    %scan3A_9 = arith.addi %scan3A_7, %scan3A_8 : i32
    %scan3A_10 = arith.constant 1 : i32
    scf.for %scan3A_75 = %scan3A_7 to %scan3A_9 step %scan3A_10  : i32 {
      %mul3A_76 = arith.constant 16 : i32
      %mul3A_77 = arith.muli %scan3A_75, %mul3A_76 : i32
      %add3A_78 = arith.constant 0 : i32
      %add3A_79 = arith.addi %mul3A_77, %add3A_78 : i32
      %mul3A_80 = arith.constant 16 : i32
      %mul3A_81 = arith.muli %add3A_79, %mul3A_80 : i32
      %swap3A = arith.index_cast %mul3A_81 : i32 to index
      %swap3A_82 = tpu.vector_load %arg9[%swap3A] {strides = array<i32>} : memref<75776xf32, #tpu.memory_space<vmem>>, vector<16xf32>,
      tpu.vector_store %arg9[%swap3A], %broadcast_in_dim3A_6 {strides = array<i32>} : memref<75776xf32, #tpu.memory_space<vmem>>, vector<16xf32>,
      %mul3A_83 = arith.constant 16 : i32
      %mul3A_84 = arith.muli %scan3A_75, %mul3A_83 : i32
      %add3A_85 = arith.constant 1 : i32
      %add3A_86 = arith.addi %mul3A_84, %add3A_85 : i32
      %mul3A_87 = arith.constant 16 : i32
      %mul3A_88 = arith.muli %add3A_86, %mul3A_87 : i32
      %swap3A_89 = arith.index_cast %mul3A_88 : i32 to index
      %swap3A_90 = tpu.vector_load %arg9[%swap3A_89] {strides = array<i32>} : memref<75776xf32, #tpu.memory_space<vmem>>, vector<16xf32>,
      tpu.vector_store %arg9[%swap3A_89], %broadcast_in_dim3A_6 {strides = array<i32>} : memref<75776xf32, #tpu.memory_space<vmem>>, vector<16xf32>,
      %mul3A_91 = arith.constant 16 : i32
      %mul3A_92 = arith.muli %scan3A_75, %mul3A_91 : i32
      %add3A_93 = arith.constant 2 : i32
      %add3A_94 = arith.addi %mul3A_92, %add3A_93 : i32
      %mul3A_95 = arith.constant 16 : i32
      %mul3A_96 = arith.muli %add3A_94, %mul3A_95 : i32
      %swap3A_97 = arith.index_cast %mul3A_96 : i32 to index
      %swap3A_98 = tpu.vector_load %arg9[%swap3A_97] {strides = array<i32>} : memref<75776xf32, #tpu.memory_space<vmem>>, vector<16xf32>,
      tpu.vector_store %arg9[%swap3A_97], %broadcast_in_dim3A_6 {strides = array<i32>} : memref<75776xf32, #tpu.memory_space<vmem>>, vector<16xf32>,
      %mul3A_99 = arith.constant 16 : i32
      %mul3A_100 = arith.muli %scan3A_75, %mul3A_99 : i32
      %add3A_101 = arith.constant 3 : i32
      %add3A_102 = arith.addi %mul3A_100, %add3A_101 : i32
      %mul3A_103 = arith.constant 16 : i32
      %mul3A_104 = arith.muli %add3A_102, %mul3A_103 : i32
      %swap3A_105 = arith.index_cast %mul3A_104 : i32 to index
      %swap3A_106 = tpu.vector_load %arg9[%swap3A_105] {strides = array<i32>} : memref<75776xf32, #tpu.memory_space<vmem>>, vector<16xf32>,
      tpu.vector_store %arg9[%swap3A_105], %broadcast_in_dim3A_6 {strides = array<i32>} : memref<75776xf32, #tpu.memory_space<vmem>>, vector<16xf32>,
      %mul3A_107 = arith.constant 16 : i32
      %mul3A_108 = arith.muli %scan3A_75, %mul3A_107 : i32
      %add3A_109 = arith.constant 4 : i32
      %add3A_110 = arith.addi %mul3A_108, %add3A_109 : i32
      %mul3A_111 = arith.constant 16 : i32
      %mul3A_112 = arith.muli %add3A_110, %mul3A_111 : i32
      %swap3A_113 = arith.index_cast %mul3A_112 : i32 to index
      %swap3A_114 = tpu.vector_load %arg9[%swap3A_113] {strides = array<i32>} : memref<75776xf32, #tpu.memory_space<vmem>>, vector<16xf32>,
      tpu.vector_store %arg9[%swap3A_113], %broadcast_in_dim3A_6 {strides = array<i32>} : memref<75776xf32, #tpu.memory_space<vmem>>, vector<16xf32>,
      %mul3A_115 = arith.constant 16 : i32
      %mul3A_116 = arith.muli %scan3A_75, %mul3A_115 : i32
      %add3A_117 = arith.constant 5 : i32
      %add3A_118 = arith.addi %mul3A_116, %add3A_117 : i32
      %mul3A_119 = arith.constant 16 : i32
      %mul3A_120 = arith.muli %add3A_118, %mul3A_119 : i32
      %swap3A_121 = arith.index_cast %mul3A_120 : i32 to index
      %swap3A_122 = tpu.vector_load %arg9[%swap3A_121] {strides = array<i32>} : memref<75776xf32, #tpu.memory_space<vmem>>, vector<16xf32>,
      tpu.vector_store %arg9[%swap3A_121], %broadcast_in_dim3A_6 {strides = array<i32>} : memref<75776xf32, #tpu.memory_space<vmem>>, vector<16xf32>,
      %mul3A_123 = arith.constant 16 : i32
      %mul3A_124 = arith.muli %scan3A_75, %mul3A_123 : i32
      %add3A_125 = arith.constant 6 : i32
      %add3A_126 = arith.addi %mul3A_124, %add3A_125 : i32
      %mul3A_127 = arith.constant 16 : i32
      %mul3A_128 = arith.muli %add3A_126, %mul3A_127 : i32
      %swap3A_129 = arith.index_cast %mul3A_128 : i32 to index
      %swap3A_130 = tpu.vector_load %arg9[%swap3A_129] {strides = array<i32>} : memref<75776xf32, #tpu.memory_space<vmem>>, vector<16xf32>,
      tpu.vector_store %arg9[%swap3A_129], %broadcast_in_dim3A_6 {strides = array<i32>} : memref<75776xf32, #tpu.memory_space<vmem>>, vector<16xf32>,
      %mul3A_131 = arith.constant 16 : i32
      %mul3A_132 = arith.muli %scan3A_75, %mul3A_131 : i32
      %add3A_133 = arith.constant 7 : i32
      %add3A_134 = arith.addi %mul3A_132, %add3A_133 : i32
      %mul3A_135 = arith.constant 16 : i32
      %mul3A_136 = arith.muli %add3A_134, %mul3A_135 : i32
      %swap3A_137 = arith.index_cast %mul3A_136 : i32 to index
      %swap3A_138 = tpu.vector_load %arg9[%swap3A_137] {strides = array<i32>} : memref<75776xf32, #tpu.memory_space<vmem>>, vector<16xf32>,
      tpu.vector_store %arg9[%swap3A_137], %broadcast_in_dim3A_6 {strides = array<i32>} : memref<75776xf32, #tpu.memory_space<vmem>>, vector<16xf32>,
      %mul3A_139 = arith.constant 16 : i32
      %mul3A_140 = arith.muli %scan3A_75, %mul3A_139 : i32
      %add3A_141 = arith.constant 8 : i32
      %add3A_142 = arith.addi %mul3A_140, %add3A_141 : i32
      %mul3A_143 = arith.constant 16 : i32
      %mul3A_144 = arith.muli %add3A_142, %mul3A_143 : i32
      %swap3A_145 = arith.index_cast %mul3A_144 : i32 to index
      %swap3A_146 = tpu.vector_load %arg9[%swap3A_145] {strides = array<i32>} : memref<75776xf32, #tpu.memory_space<vmem>>, vector<16xf32>,
      tpu.vector_store %arg9[%swap3A_145], %broadcast_in_dim3A_6 {strides = array<i32>} : memref<75776xf32, #tpu.memory_space<vmem>>, vector<16xf32>,
      %mul3A_147 = arith.constant 16 : i32
      %mul3A_148 = arith.muli %scan3A_75, %mul3A_147 : i32
      %add3A_149 = arith.constant 9 : i32
      %add3A_150 = arith.addi %mul3A_148, %add3A_149 : i32
      %mul3A_151 = arith.constant 16 : i32
      %mul3A_152 = arith.muli %add3A_150, %mul3A_151 : i32
      %swap3A_153 = arith.index_cast %mul3A_152 : i32 to index
      %swap3A_154 = tpu.vector_load %arg9[%swap3A_153] {strides = array<i32>} : memref<75776xf32, #tpu.memory_space<vmem>>, vector<16xf32>,
      tpu.vector_store %arg9[%swap3A_153], %broadcast_in_dim3A_6 {strides = array<i32>} : memref<75776xf32, #tpu.memory_space<vmem>>, vector<16xf32>,
      %mul3A_155 = arith.constant 16 : i32
      %mul3A_156 = arith.muli %scan3A_75, %mul3A_155 : i32
      %add3A_157 = arith.constant 10 : i32
      %add3A_158 = arith.addi %mul3A_156, %add3A_157 : i32
      %mul3A_159 = arith.constant 16 : i32
      %mul3A_160 = arith.muli %add3A_158, %mul3A_159 : i32
      %swap3A_161 = arith.index_cast %mul3A_160 : i32 to index
      %swap3A_162 = tpu.vector_load %arg9[%swap3A_161] {strides = array<i32>} : memref<75776xf32, #tpu.memory_space<vmem>>, vector<16xf32>,
      tpu.vector_store %arg9[%swap3A_161], %broadcast_in_dim3A_6 {strides = array<i32>} : memref<75776xf32, #tpu.memory_space<vmem>>, vector<16xf32>,
      %mul3A_163 = arith.constant 16 : i32
      %mul3A_164 = arith.muli %scan3A_75, %mul3A_163 : i32
      %add3A_165 = arith.constant 11 : i32
      %add3A_166 = arith.addi %mul3A_164, %add3A_165 : i32
      %mul3A_167 = arith.constant 16 : i32
      %mul3A_168 = arith.muli %add3A_166, %mul3A_167 : i32
      %swap3A_169 = arith.index_cast %mul3A_168 : i32 to index
      %swap3A_170 = tpu.vector_load %arg9[%swap3A_169] {strides = array<i32>} : memref<75776xf32, #tpu.memory_space<vmem>>, vector<16xf32>,
      tpu.vector_store %arg9[%swap3A_169], %broadcast_in_dim3A_6 {strides = array<i32>} : memref<75776xf32, #tpu.memory_space<vmem>>, vector<16xf32>,
      %mul3A_171 = arith.constant 16 : i32
      %mul3A_172 = arith.muli %scan3A_75, %mul3A_171 : i32
      %add3A_173 = arith.constant 12 : i32
      %add3A_174 = arith.addi %mul3A_172, %add3A_173 : i32
      %mul3A_175 = arith.constant 16 : i32
      %mul3A_176 = arith.muli %add3A_174, %mul3A_175 : i32
      %swap3A_177 = arith.index_cast %mul3A_176 : i32 to index
      %swap3A_178 = tpu.vector_load %arg9[%swap3A_177] {strides = array<i32>} : memref<75776xf32, #tpu.memory_space<vmem>>, vector<16xf32>,
      tpu.vector_store %arg9[%swap3A_177], %broadcast_in_dim3A_6 {strides = array<i32>} : memref<75776xf32, #tpu.memory_space<vmem>>, vector<16xf32>,
      %mul3A_179 = arith.constant 16 : i32
      %mul3A_180 = arith.muli %scan3A_75, %mul3A_179 : i32
      %add3A_181 = arith.constant 13 : i32
      %add3A_182 = arith.addi %mul3A_180, %add3A_181 : i32
      %mul3A_183 = arith.constant 16 : i32
      %mul3A_184 = arith.muli %add3A_182, %mul3A_183 : i32
      %swap3A_185 = arith.index_cast %mul3A_184 : i32 to index
      %swap3A_186 = tpu.vector_load %arg9[%swap3A_185] {strides = array<i32>} : memref<75776xf32, #tpu.memory_space<vmem>>, vector<16xf32>,
      tpu.vector_store %arg9[%swap3A_185], %broadcast_in_dim3A_6 {strides = array<i32>} : memref<75776xf32, #tpu.memory_space<vmem>>, vector<16xf32>,
      %mul3A_187 = arith.constant 16 : i32
      %mul3A_188 = arith.muli %scan3A_75, %mul3A_187 : i32
      %add3A_189 = arith.constant 14 : i32
      %add3A_190 = arith.addi %mul3A_188, %add3A_189 : i32
      %mul3A_191 = arith.constant 16 : i32
      %mul3A_192 = arith.muli %add3A_190, %mul3A_191 : i32
      %swap3A_193 = arith.index_cast %mul3A_192 : i32 to index
      %swap3A_194 = tpu.vector_load %arg9[%swap3A_193] {strides = array<i32>} : memref<75776xf32, #tpu.memory_space<vmem>>, vector<16xf32>,
      tpu.vector_store %arg9[%swap3A_193], %broadcast_in_dim3A_6 {strides = array<i32>} : memref<75776xf32, #tpu.memory_space<vmem>>, vector<16xf32>,
      %mul3A_195 = arith.constant 16 : i32
      %mul3A_196 = arith.muli %scan3A_75, %mul3A_195 : i32
      %add3A_197 = arith.constant 15 : i32
      %add3A_198 = arith.addi %mul3A_196, %add3A_197 : i32
      %mul3A_199 = arith.constant 16 : i32
      %mul3A_200 = arith.muli %add3A_198, %mul3A_199 : i32
      %swap3A_201 = arith.index_cast %mul3A_200 : i32 to index
      %swap3A_202 = tpu.vector_load %arg9[%swap3A_201] {strides = array<i32>} : memref<75776xf32, #tpu.memory_space<vmem>>, vector<16xf32>,
      tpu.vector_store %arg9[%swap3A_201], %broadcast_in_dim3A_6 {strides = array<i32>} : memref<75776xf32, #tpu.memory_space<vmem>>, vector<16xf32>,
    }
    %scan3A_11 = arith.constant 296 : i32
    %mul3A_12 = arith.constant 460800 : i32
    %mul3A_13 = arith.muli %add3A, %mul3A_12 : i32
    %add3A_14 = arith.constant 0 : i32
    %add3A_15 = arith.addi %mul3A_13, %add3A_14 : i32
    %dma_start3A = arith.constant 0 : i32
    %dma_start3A_16 = tpu.memref_slice %arg7[%dma_start3A] : memref<9600xi32, #tpu.memory_space<vmem>> -> memref<9600xi32, #tpu.memory_space<vmem>>
    %dma_start3A_17 = tpu.memref_slice %arg2[%add3A_15] : memref<14745600xi32, #tpu.memory_space<hbm>> -> memref<9600xi32, #tpu.memory_space<hbm>>
    %dma_start3A_18 = arith.constant 0 : i32
    %dma_start3A_19 = tpu.memref_slice %arg7[%dma_start3A_18] : memref<9600xi32, #tpu.memory_space<vmem>> -> memref<9600xi32, #tpu.memory_space<vmem>>
    %dma_start3A_20 = tpu.memref_slice %arg2[%add3A_15] : memref<14745600xi32, #tpu.memory_space<hbm>> -> memref<9600xi32, #tpu.memory_space<hbm>>
    tpu.enqueue_dma source(%dma_start3A_20 : memref<9600xi32, #tpu.memory_space<hbm>>) target(%dma_start3A_19 : memref<9600xi32, #tpu.memory_space<vmem>>) target_semaphore(%arg10 : memref<!tpu.dma_semaphore, #tpu.memory_space<semaphore_mem>>)
    %scan3A_21 = arith.constant 0 : i32
    %scan3A_22 = arith.constant 0 : i32
    %scan3A_23 = arith.constant 24 : i32
    %scan3A_24 = arith.addi %scan3A_22, %scan3A_23 : i32
    %scan3A_25 = arith.constant 1 : i32
    scf.for %scan3A_75 = %scan3A_22 to %scan3A_24 step %scan3A_25  : i32 {
      %mul3A_76 = arith.constant 2 : i32
      %mul3A_77 = arith.muli %mul3A_76, %scan3A_75 : i32
      %add3A_78 = arith.constant 1 : i32
      %add3A_79 = arith.addi %mul3A_77, %add3A_78 : i32
      %mul3A_80 = arith.constant 9600 : i32
      %mul3A_81 = arith.muli %add3A_79, %mul3A_80 : i32
      %add3A_82 = arith.addi %mul3A_13, %mul3A_81 : i32
      %dma_start3A_83 = arith.constant 0 : i32
      %dma_start3A_84 = tpu.memref_slice %arg8[%dma_start3A_83] : memref<9600xi32, #tpu.memory_space<vmem>> -> memref<9600xi32, #tpu.memory_space<vmem>>
      %dma_start3A_85 = tpu.memref_slice %arg2[%add3A_82] : memref<14745600xi32, #tpu.memory_space<hbm>> -> memref<9600xi32, #tpu.memory_space<hbm>>
      %dma_start3A_86 = arith.constant 0 : i32
      %dma_start3A_87 = tpu.memref_slice %arg8[%dma_start3A_86] : memref<9600xi32, #tpu.memory_space<vmem>> -> memref<9600xi32, #tpu.memory_space<vmem>>
      %dma_start3A_88 = tpu.memref_slice %arg2[%add3A_82] : memref<14745600xi32, #tpu.memory_space<hbm>> -> memref<9600xi32, #tpu.memory_space<hbm>>
      tpu.enqueue_dma source(%dma_start3A_88 : memref<9600xi32, #tpu.memory_space<hbm>>) target(%dma_start3A_87 : memref<9600xi32, #tpu.memory_space<vmem>>) target_semaphore(%arg11 : memref<!tpu.dma_semaphore, #tpu.memory_space<semaphore_mem>>)
      %add3A_89 = arith.constant 0 : i32
      %add3A_90 = arith.addi %mul3A_13, %add3A_89 : i32
      %dma_wait3A = arith.constant 0 : i32
      %dma_wait3A_91 = tpu.memref_slice %arg7[%dma_wait3A] : memref<9600xi32, #tpu.memory_space<vmem>> -> memref<9600xi32, #tpu.memory_space<vmem>>
      %dma_wait3A_92 = tpu.memref_slice %arg2[%add3A_90] : memref<14745600xi32, #tpu.memory_space<hbm>> -> memref<9600xi32, #tpu.memory_space<hbm>>
      %dma_wait3A_93 = arith.constant 0 : i32
      %dma_wait3A_94 = tpu.memref_slice %arg7[%dma_wait3A_93] : memref<9600xi32, #tpu.memory_space<vmem>> -> memref<9600xi32, #tpu.memory_space<vmem>>
      %dma_wait3A_95 = tpu.memref_slice %arg2[%add3A_90] : memref<14745600xi32, #tpu.memory_space<hbm>> -> memref<9600xi32, #tpu.memory_space<hbm>>
      tpu.wait_dma2 semaphore(%arg10 : memref<!tpu.dma_semaphore, #tpu.memory_space<semaphore_mem>>) src(%dma_wait3A_95 : memref<9600xi32, #tpu.memory_space<hbm>>) dst(%dma_wait3A_94 : memref<9600xi32, #tpu.memory_space<vmem>>)
      %parallel_loop3A = arith.constant 0 : i32
      %parallel_loop3A_96 = arith.constant 600 : i32
      %parallel_loop3A_97 = arith.constant 1 : i32
      scf.for %parallel_loop3A_113 = %parallel_loop3A to %parallel_loop3A_96 step %parallel_loop3A_97  : i32 {
        %parallel_loop3A_114 = arith.constant 16 : i32
        %parallel_loop3A_115 = arith.muli %parallel_loop3A_113, %parallel_loop3A_114 : i32
        %parallel_loop3A_116 = arith.index_cast %parallel_loop3A_115 : i32 to index
        %parallel_loop3A_117 = tpu.vector_load %arg7[%parallel_loop3A_116] {strides = array<i32>} : memref<9600xi32, #tpu.memory_space<vmem>>, vector<16xi32>,
        %parallel_loop3A_118 = arith.addi %parallel_loop3A_117, %mul3A_3 : vector<16xi32>
        tpu.vector_store_idx %arg9[%parallel_loop3A_118], %broadcast_in_dim3A_4 {add = true} : memref<75776xf32, #tpu.memory_space<vmem>>[vector<16xi32>], vector<16xf32>,
      } {sc.loop_unroll_factor = 16 : i64, sc.parallel_access}
      %add3A_98 = arith.constant 2 : i32
      %add3A_99 = arith.addi %mul3A_77, %add3A_98 : i32
      %lt3A = arith.constant 48 : i32
      %lt3A_100 = arith.cmpi slt, %add3A_99, %lt3A : i32
      %convert_element_type3A = arith.extui %lt3A_100 : i1 to i32
      %cond3A = arith.constant 0 : i32
      %cond3A_101 = arith.cmpi ne, %convert_element_type3A, %cond3A : i32
      scf.if %cond3A_101 {
        %add3A_113 = arith.constant 2 : i32
        %add3A_114 = arith.addi %mul3A_77, %add3A_113 : i32
        %mul3A_115 = arith.constant 9600 : i32
        %mul3A_116 = arith.muli %add3A_114, %mul3A_115 : i32
        %add3A_117 = arith.addi %mul3A_13, %mul3A_116 : i32
        %dma_start3A_118 = arith.constant 0 : i32
        %dma_start3A_119 = tpu.memref_slice %arg7[%dma_start3A_118] : memref<9600xi32, #tpu.memory_space<vmem>> -> memref<9600xi32, #tpu.memory_space<vmem>>
        %dma_start3A_120 = tpu.memref_slice %arg2[%add3A_117] : memref<14745600xi32, #tpu.memory_space<hbm>> -> memref<9600xi32, #tpu.memory_space<hbm>>
        %dma_start3A_121 = arith.constant 0 : i32
        %dma_start3A_122 = tpu.memref_slice %arg7[%dma_start3A_121] : memref<9600xi32, #tpu.memory_space<vmem>> -> memref<9600xi32, #tpu.memory_space<vmem>>
        %dma_start3A_123 = tpu.memref_slice %arg2[%add3A_117] : memref<14745600xi32, #tpu.memory_space<hbm>> -> memref<9600xi32, #tpu.memory_space<hbm>>
        tpu.enqueue_dma source(%dma_start3A_123 : memref<9600xi32, #tpu.memory_space<hbm>>) target(%dma_start3A_122 : memref<9600xi32, #tpu.memory_space<vmem>>) target_semaphore(%arg10 : memref<!tpu.dma_semaphore, #tpu.memory_space<semaphore_mem>>)
      } else {
      }
      %add3A_102 = arith.constant 0 : i32
      %add3A_103 = arith.addi %mul3A_13, %add3A_102 : i32
      %dma_wait3A_104 = arith.constant 0 : i32
      %dma_wait3A_105 = tpu.memref_slice %arg8[%dma_wait3A_104] : memref<9600xi32, #tpu.memory_space<vmem>> -> memref<9600xi32, #tpu.memory_space<vmem>>
      %dma_wait3A_106 = tpu.memref_slice %arg2[%add3A_103] : memref<14745600xi32, #tpu.memory_space<hbm>> -> memref<9600xi32, #tpu.memory_space<hbm>>
      %dma_wait3A_107 = arith.constant 0 : i32
      %dma_wait3A_108 = tpu.memref_slice %arg8[%dma_wait3A_107] : memref<9600xi32, #tpu.memory_space<vmem>> -> memref<9600xi32, #tpu.memory_space<vmem>>
      %dma_wait3A_109 = tpu.memref_slice %arg2[%add3A_103] : memref<14745600xi32, #tpu.memory_space<hbm>> -> memref<9600xi32, #tpu.memory_space<hbm>>
      tpu.wait_dma2 semaphore(%arg11 : memref<!tpu.dma_semaphore, #tpu.memory_space<semaphore_mem>>) src(%dma_wait3A_109 : memref<9600xi32, #tpu.memory_space<hbm>>) dst(%dma_wait3A_108 : memref<9600xi32, #tpu.memory_space<vmem>>)
      %parallel_loop3A_110 = arith.constant 0 : i32
      %parallel_loop3A_111 = arith.constant 600 : i32
      %parallel_loop3A_112 = arith.constant 1 : i32
      scf.for %parallel_loop3A_113 = %parallel_loop3A_110 to %parallel_loop3A_111 step %parallel_loop3A_112  : i32 {
        %parallel_loop3A_114 = arith.constant 16 : i32
        %parallel_loop3A_115 = arith.muli %parallel_loop3A_113, %parallel_loop3A_114 : i32
        %parallel_loop3A_116 = arith.index_cast %parallel_loop3A_115 : i32 to index
        %parallel_loop3A_117 = tpu.vector_load %arg8[%parallel_loop3A_116] {strides = array<i32>} : memref<9600xi32, #tpu.memory_space<vmem>>, vector<16xi32>,
        %parallel_loop3A_118 = arith.addi %parallel_loop3A_117, %mul3A_3 : vector<16xi32>
        tpu.vector_store_idx %arg9[%parallel_loop3A_118], %broadcast_in_dim3A_4 {add = true} : memref<75776xf32, #tpu.memory_space<vmem>>[vector<16xi32>], vector<16xf32>,
      } {sc.loop_unroll_factor = 16 : i64, sc.parallel_access}
    }
    %scan3A_26 = arith.constant 24 : i32
    %mul3A_27 = arith.constant 460800 : i32
    %mul3A_28 = arith.muli %add3A, %mul3A_27 : i32
    %add3A_29 = arith.constant 0 : i32
    %add3A_30 = arith.addi %mul3A_28, %add3A_29 : i32
    %dma_start3A_31 = arith.constant 0 : i32
    %dma_start3A_32 = tpu.memref_slice %arg7[%dma_start3A_31] : memref<9600xi32, #tpu.memory_space<vmem>> -> memref<9600xi32, #tpu.memory_space<vmem>>
    %dma_start3A_33 = tpu.memref_slice %arg3[%add3A_30] : memref<14745600xi32, #tpu.memory_space<hbm>> -> memref<9600xi32, #tpu.memory_space<hbm>>
    %dma_start3A_34 = arith.constant 0 : i32
    %dma_start3A_35 = tpu.memref_slice %arg7[%dma_start3A_34] : memref<9600xi32, #tpu.memory_space<vmem>> -> memref<9600xi32, #tpu.memory_space<vmem>>
    %dma_start3A_36 = tpu.memref_slice %arg3[%add3A_30] : memref<14745600xi32, #tpu.memory_space<hbm>> -> memref<9600xi32, #tpu.memory_space<hbm>>
    tpu.enqueue_dma source(%dma_start3A_36 : memref<9600xi32, #tpu.memory_space<hbm>>) target(%dma_start3A_35 : memref<9600xi32, #tpu.memory_space<vmem>>) target_semaphore(%arg10 : memref<!tpu.dma_semaphore, #tpu.memory_space<semaphore_mem>>)
    %scan3A_37 = arith.constant 0 : i32
    %scan3A_38 = arith.constant 0 : i32
    %scan3A_39 = arith.constant 24 : i32
    %scan3A_40 = arith.addi %scan3A_38, %scan3A_39 : i32
    %scan3A_41 = arith.constant 1 : i32
    scf.for %scan3A_75 = %scan3A_38 to %scan3A_40 step %scan3A_41  : i32 {
      %mul3A_76 = arith.constant 2 : i32
      %mul3A_77 = arith.muli %mul3A_76, %scan3A_75 : i32
      %add3A_78 = arith.constant 1 : i32
      %add3A_79 = arith.addi %mul3A_77, %add3A_78 : i32
      %mul3A_80 = arith.constant 9600 : i32
      %mul3A_81 = arith.muli %add3A_79, %mul3A_80 : i32
      %add3A_82 = arith.addi %mul3A_28, %mul3A_81 : i32
      %dma_start3A_83 = arith.constant 0 : i32
      %dma_start3A_84 = tpu.memref_slice %arg8[%dma_start3A_83] : memref<9600xi32, #tpu.memory_space<vmem>> -> memref<9600xi32, #tpu.memory_space<vmem>>
      %dma_start3A_85 = tpu.memref_slice %arg3[%add3A_82] : memref<14745600xi32, #tpu.memory_space<hbm>> -> memref<9600xi32, #tpu.memory_space<hbm>>
      %dma_start3A_86 = arith.constant 0 : i32
      %dma_start3A_87 = tpu.memref_slice %arg8[%dma_start3A_86] : memref<9600xi32, #tpu.memory_space<vmem>> -> memref<9600xi32, #tpu.memory_space<vmem>>
      %dma_start3A_88 = tpu.memref_slice %arg3[%add3A_82] : memref<14745600xi32, #tpu.memory_space<hbm>> -> memref<9600xi32, #tpu.memory_space<hbm>>
      tpu.enqueue_dma source(%dma_start3A_88 : memref<9600xi32, #tpu.memory_space<hbm>>) target(%dma_start3A_87 : memref<9600xi32, #tpu.memory_space<vmem>>) target_semaphore(%arg11 : memref<!tpu.dma_semaphore, #tpu.memory_space<semaphore_mem>>)
      %add3A_89 = arith.constant 0 : i32
      %add3A_90 = arith.addi %mul3A_28, %add3A_89 : i32
      %dma_wait3A = arith.constant 0 : i32
      %dma_wait3A_91 = tpu.memref_slice %arg7[%dma_wait3A] : memref<9600xi32, #tpu.memory_space<vmem>> -> memref<9600xi32, #tpu.memory_space<vmem>>
      %dma_wait3A_92 = tpu.memref_slice %arg3[%add3A_90] : memref<14745600xi32, #tpu.memory_space<hbm>> -> memref<9600xi32, #tpu.memory_space<hbm>>
      %dma_wait3A_93 = arith.constant 0 : i32
      %dma_wait3A_94 = tpu.memref_slice %arg7[%dma_wait3A_93] : memref<9600xi32, #tpu.memory_space<vmem>> -> memref<9600xi32, #tpu.memory_space<vmem>>
      %dma_wait3A_95 = tpu.memref_slice %arg3[%add3A_90] : memref<14745600xi32, #tpu.memory_space<hbm>> -> memref<9600xi32, #tpu.memory_space<hbm>>
      tpu.wait_dma2 semaphore(%arg10 : memref<!tpu.dma_semaphore, #tpu.memory_space<semaphore_mem>>) src(%dma_wait3A_95 : memref<9600xi32, #tpu.memory_space<hbm>>) dst(%dma_wait3A_94 : memref<9600xi32, #tpu.memory_space<vmem>>)
      %parallel_loop3A = arith.constant 0 : i32
      %parallel_loop3A_96 = arith.constant 75 : i32
      %parallel_loop3A_97 = arith.constant 1 : i32
      scf.for %parallel_loop3A_113 = %parallel_loop3A to %parallel_loop3A_96 step %parallel_loop3A_97  : i32 {
        %parallel_loop3A_114 = arith.constant 128 : i32
        %parallel_loop3A_115 = arith.muli %parallel_loop3A_113, %parallel_loop3A_114 : i32
        %parallel_loop3A_116 = arith.constant 0 : i32
        %parallel_loop3A_117 = arith.addi %parallel_loop3A_115, %parallel_loop3A_116 : i32
        %parallel_loop3A_118 = arith.index_cast %parallel_loop3A_117 : i32 to index
        %parallel_loop3A_119 = tpu.vector_load %arg7[%parallel_loop3A_118] {strides = array<i32>} : memref<9600xi32, #tpu.memory_space<vmem>>, vector<16xi32>,
        %parallel_loop3A_120 = arith.addi %parallel_loop3A_119, %mul3A_3 : vector<16xi32>
        tpu.vector_store_idx %arg9[%parallel_loop3A_120], %broadcast_in_dim3A_4 {add = true} : memref<75776xf32, #tpu.memory_space<vmem>>[vector<16xi32>], vector<16xf32>,
        %parallel_loop3A_121 = arith.constant 128 : i32
        %parallel_loop3A_122 = arith.muli %parallel_loop3A_113, %parallel_loop3A_121 : i32
        %parallel_loop3A_123 = arith.constant 16 : i32
        %parallel_loop3A_124 = arith.addi %parallel_loop3A_122, %parallel_loop3A_123 : i32
        %parallel_loop3A_125 = arith.index_cast %parallel_loop3A_124 : i32 to index
        %parallel_loop3A_126 = tpu.vector_load %arg7[%parallel_loop3A_125] {strides = array<i32>} : memref<9600xi32, #tpu.memory_space<vmem>>, vector<16xi32>,
        %parallel_loop3A_127 = arith.addi %parallel_loop3A_126, %mul3A_3 : vector<16xi32>
        tpu.vector_store_idx %arg9[%parallel_loop3A_127], %broadcast_in_dim3A_4 {add = true} : memref<75776xf32, #tpu.memory_space<vmem>>[vector<16xi32>], vector<16xf32>,
        %parallel_loop3A_128 = arith.constant 128 : i32
        %parallel_loop3A_129 = arith.muli %parallel_loop3A_113, %parallel_loop3A_128 : i32
        %parallel_loop3A_130 = arith.constant 32 : i32
        %parallel_loop3A_131 = arith.addi %parallel_loop3A_129, %parallel_loop3A_130 : i32
        %parallel_loop3A_132 = arith.index_cast %parallel_loop3A_131 : i32 to index
        %parallel_loop3A_133 = tpu.vector_load %arg7[%parallel_loop3A_132] {strides = array<i32>} : memref<9600xi32, #tpu.memory_space<vmem>>, vector<16xi32>,
        %parallel_loop3A_134 = arith.addi %parallel_loop3A_133, %mul3A_3 : vector<16xi32>
        tpu.vector_store_idx %arg9[%parallel_loop3A_134], %broadcast_in_dim3A_4 {add = true} : memref<75776xf32, #tpu.memory_space<vmem>>[vector<16xi32>], vector<16xf32>,
        %parallel_loop3A_135 = arith.constant 128 : i32
        %parallel_loop3A_136 = arith.muli %parallel_loop3A_113, %parallel_loop3A_135 : i32
        %parallel_loop3A_137 = arith.constant 48 : i32
        %parallel_loop3A_138 = arith.addi %parallel_loop3A_136, %parallel_loop3A_137 : i32
        %parallel_loop3A_139 = arith.index_cast %parallel_loop3A_138 : i32 to index
        %parallel_loop3A_140 = tpu.vector_load %arg7[%parallel_loop3A_139] {strides = array<i32>} : memref<9600xi32, #tpu.memory_space<vmem>>, vector<16xi32>,
        %parallel_loop3A_141 = arith.addi %parallel_loop3A_140, %mul3A_3 : vector<16xi32>
        tpu.vector_store_idx %arg9[%parallel_loop3A_141], %broadcast_in_dim3A_4 {add = true} : memref<75776xf32, #tpu.memory_space<vmem>>[vector<16xi32>], vector<16xf32>,
        %parallel_loop3A_142 = arith.constant 128 : i32
        %parallel_loop3A_143 = arith.muli %parallel_loop3A_113, %parallel_loop3A_142 : i32
        %parallel_loop3A_144 = arith.constant 64 : i32
        %parallel_loop3A_145 = arith.addi %parallel_loop3A_143, %parallel_loop3A_144 : i32
        %parallel_loop3A_146 = arith.index_cast %parallel_loop3A_145 : i32 to index
        %parallel_loop3A_147 = tpu.vector_load %arg7[%parallel_loop3A_146] {strides = array<i32>} : memref<9600xi32, #tpu.memory_space<vmem>>, vector<16xi32>,
        %parallel_loop3A_148 = arith.addi %parallel_loop3A_147, %mul3A_3 : vector<16xi32>
        tpu.vector_store_idx %arg9[%parallel_loop3A_148], %broadcast_in_dim3A_4 {add = true} : memref<75776xf32, #tpu.memory_space<vmem>>[vector<16xi32>], vector<16xf32>,
      } {sc.loop_unroll_factor = 2 : i64, sc.parallel_access}
      %add3A_98 = arith.constant 2 : i32
      %add3A_99 = arith.addi %mul3A_77, %add3A_98 : i32
      %lt3A = arith.constant 48 : i32
      %lt3A_100 = arith.cmpi slt, %add3A_99, %lt3A : i32
      %convert_element_type3A = arith.extui %lt3A_100 : i1 to i32
      %cond3A = arith.constant 0 : i32
      %cond3A_101 = arith.cmpi ne, %convert_element_type3A, %cond3A : i32
      scf.if %cond3A_101 {
        %add3A_113 = arith.constant 2 : i32
        %add3A_114 = arith.addi %mul3A_77, %add3A_113 : i32
        %mul3A_115 = arith.constant 9600 : i32
        %mul3A_116 = arith.muli %add3A_114, %mul3A_115 : i32
        %add3A_117 = arith.addi %mul3A_28, %mul3A_116 : i32
        %dma_start3A_118 = arith.constant 0 : i32
        %dma_start3A_119 = tpu.memref_slice %arg7[%dma_start3A_118] : memref<9600xi32, #tpu.memory_space<vmem>> -> memref<9600xi32, #tpu.memory_space<vmem>>
        %dma_start3A_120 = tpu.memref_slice %arg3[%add3A_117] : memref<14745600xi32, #tpu.memory_space<hbm>> -> memref<9600xi32, #tpu.memory_space<hbm>>
        %dma_start3A_121 = arith.constant 0 : i32
        %dma_start3A_122 = tpu.memref_slice %arg7[%dma_start3A_121] : memref<9600xi32, #tpu.memory_space<vmem>> -> memref<9600xi32, #tpu.memory_space<vmem>>
        %dma_start3A_123 = tpu.memref_slice %arg3[%add3A_117] : memref<14745600xi32, #tpu.memory_space<hbm>> -> memref<9600xi32, #tpu.memory_space<hbm>>
        tpu.enqueue_dma source(%dma_start3A_123 : memref<9600xi32, #tpu.memory_space<hbm>>) target(%dma_start3A_122 : memref<9600xi32, #tpu.memory_space<vmem>>) target_semaphore(%arg10 : memref<!tpu.dma_semaphore, #tpu.memory_space<semaphore_mem>>)
      } else {
      }
      %add3A_102 = arith.constant 0 : i32
      %add3A_103 = arith.addi %mul3A_28, %add3A_102 : i32
      %dma_wait3A_104 = arith.constant 0 : i32
      %dma_wait3A_105 = tpu.memref_slice %arg8[%dma_wait3A_104] : memref<9600xi32, #tpu.memory_space<vmem>> -> memref<9600xi32, #tpu.memory_space<vmem>>
      %dma_wait3A_106 = tpu.memref_slice %arg3[%add3A_103] : memref<14745600xi32, #tpu.memory_space<hbm>> -> memref<9600xi32, #tpu.memory_space<hbm>>
      %dma_wait3A_107 = arith.constant 0 : i32
      %dma_wait3A_108 = tpu.memref_slice %arg8[%dma_wait3A_107] : memref<9600xi32, #tpu.memory_space<vmem>> -> memref<9600xi32, #tpu.memory_space<vmem>>
      %dma_wait3A_109 = tpu.memref_slice %arg3[%add3A_103] : memref<14745600xi32, #tpu.memory_space<hbm>> -> memref<9600xi32, #tpu.memory_space<hbm>>
      tpu.wait_dma2 semaphore(%arg11 : memref<!tpu.dma_semaphore, #tpu.memory_space<semaphore_mem>>) src(%dma_wait3A_109 : memref<9600xi32, #tpu.memory_space<hbm>>) dst(%dma_wait3A_108 : memref<9600xi32, #tpu.memory_space<vmem>>)
      %parallel_loop3A_110 = arith.constant 0 : i32
      %parallel_loop3A_111 = arith.constant 75 : i32
      %parallel_loop3A_112 = arith.constant 1 : i32
      scf.for %parallel_loop3A_113 = %parallel_loop3A_110 to %parallel_loop3A_111 step %parallel_loop3A_112  : i32 {
        %parallel_loop3A_114 = arith.constant 128 : i32
        %parallel_loop3A_115 = arith.muli %parallel_loop3A_113, %parallel_loop3A_114 : i32
        %parallel_loop3A_116 = arith.constant 0 : i32
        %parallel_loop3A_117 = arith.addi %parallel_loop3A_115, %parallel_loop3A_116 : i32
        %parallel_loop3A_118 = arith.index_cast %parallel_loop3A_117 : i32 to index
        %parallel_loop3A_119 = tpu.vector_load %arg8[%parallel_loop3A_118] {strides = array<i32>} : memref<9600xi32, #tpu.memory_space<vmem>>, vector<16xi32>,
        %parallel_loop3A_120 = arith.addi %parallel_loop3A_119, %mul3A_3 : vector<16xi32>
        tpu.vector_store_idx %arg9[%parallel_loop3A_120], %broadcast_in_dim3A_4 {add = true} : memref<75776xf32, #tpu.memory_space<vmem>>[vector<16xi32>], vector<16xf32>,
        %parallel_loop3A_121 = arith.constant 128 : i32
        %parallel_loop3A_122 = arith.muli %parallel_loop3A_113, %parallel_loop3A_121 : i32
        %parallel_loop3A_123 = arith.constant 16 : i32
        %parallel_loop3A_124 = arith.addi %parallel_loop3A_122, %parallel_loop3A_123 : i32
        %parallel_loop3A_125 = arith.index_cast %parallel_loop3A_124 : i32 to index
        %parallel_loop3A_126 = tpu.vector_load %arg8[%parallel_loop3A_125] {strides = array<i32>} : memref<9600xi32, #tpu.memory_space<vmem>>, vector<16xi32>,
        %parallel_loop3A_127 = arith.addi %parallel_loop3A_126, %mul3A_3 : vector<16xi32>
        tpu.vector_store_idx %arg9[%parallel_loop3A_127], %broadcast_in_dim3A_4 {add = true} : memref<75776xf32, #tpu.memory_space<vmem>>[vector<16xi32>], vector<16xf32>,
        %parallel_loop3A_128 = arith.constant 128 : i32
        %parallel_loop3A_129 = arith.muli %parallel_loop3A_113, %parallel_loop3A_128 : i32
        %parallel_loop3A_130 = arith.constant 32 : i32
        %parallel_loop3A_131 = arith.addi %parallel_loop3A_129, %parallel_loop3A_130 : i32
        %parallel_loop3A_132 = arith.index_cast %parallel_loop3A_131 : i32 to index
        %parallel_loop3A_133 = tpu.vector_load %arg8[%parallel_loop3A_132] {strides = array<i32>} : memref<9600xi32, #tpu.memory_space<vmem>>, vector<16xi32>,
        %parallel_loop3A_134 = arith.addi %parallel_loop3A_133, %mul3A_3 : vector<16xi32>
        tpu.vector_store_idx %arg9[%parallel_loop3A_134], %broadcast_in_dim3A_4 {add = true} : memref<75776xf32, #tpu.memory_space<vmem>>[vector<16xi32>], vector<16xf32>,
        %parallel_loop3A_135 = arith.constant 128 : i32
        %parallel_loop3A_136 = arith.muli %parallel_loop3A_113, %parallel_loop3A_135 : i32
        %parallel_loop3A_137 = arith.constant 48 : i32
        %parallel_loop3A_138 = arith.addi %parallel_loop3A_136, %parallel_loop3A_137 : i32
        %parallel_loop3A_139 = arith.index_cast %parallel_loop3A_138 : i32 to index
        %parallel_loop3A_140 = tpu.vector_load %arg8[%parallel_loop3A_139] {strides = array<i32>} : memref<9600xi32, #tpu.memory_space<vmem>>, vector<16xi32>,
        %parallel_loop3A_141 = arith.addi %parallel_loop3A_140, %mul3A_3 : vector<16xi32>
        tpu.vector_store_idx %arg9[%parallel_loop3A_141], %broadcast_in_dim3A_4 {add = true} : memref<75776xf32, #tpu.memory_space<vmem>>[vector<16xi32>], vector<16xf32>,
        %parallel_loop3A_142 = arith.constant 128 : i32
        %parallel_loop3A_143 = arith.muli %parallel_loop3A_113, %parallel_loop3A_142 : i32
        %parallel_loop3A_144 = arith.constant 64 : i32
        %parallel_loop3A_145 = arith.addi %parallel_loop3A_143, %parallel_loop3A_144 : i32
        %parallel_loop3A_146 = arith.index_cast %parallel_loop3A_145 : i32 to index
        %parallel_loop3A_147 = tpu.vector_load %arg8[%parallel_loop3A_146] {strides = array<i32>} : memref<9600xi32, #tpu.memory_space<vmem>>, vector<16xi32>,
        %parallel_loop3A_148 = arith.addi %parallel_loop3A_147, %mul3A_3 : vector<16xi32>
        tpu.vector_store_idx %arg9[%parallel_loop3A_148], %broadcast_in_dim3A_4 {add = true} : memref<75776xf32, #tpu.memory_space<vmem>>[vector<16xi32>], vector<16xf32>,
      } {sc.loop_unroll_factor = 2 : i64, sc.parallel_access}
    }
    %scan3A_42 = arith.constant 24 : i32
    %mul3A_43 = arith.constant 25600 : i32
    %mul3A_44 = arith.muli %add3A, %mul3A_43 : i32
    %add3A_45 = arith.constant 0 : i32
    %add3A_46 = arith.addi %mul3A_44, %add3A_45 : i32
    %dma_start3A_47 = arith.constant 0 : i32
    %dma_start3A_48 = tpu.memref_slice %arg7[%dma_start3A_47] : memref<9600xi32, #tpu.memory_space<vmem>> -> memref<6400xi32, #tpu.memory_space<vmem>>
    %dma_start3A_49 = tpu.memref_slice %arg4[%add3A_46] : memref<819200xi32, #tpu.memory_space<hbm>> -> memref<6400xi32, #tpu.memory_space<hbm>>
    %dma_start3A_50 = arith.constant 0 : i32
    %dma_start3A_51 = tpu.memref_slice %arg7[%dma_start3A_50] : memref<9600xi32, #tpu.memory_space<vmem>> -> memref<6400xi32, #tpu.memory_space<vmem>>
    %dma_start3A_52 = tpu.memref_slice %arg4[%add3A_46] : memref<819200xi32, #tpu.memory_space<hbm>> -> memref<6400xi32, #tpu.memory_space<hbm>>
    tpu.enqueue_dma source(%dma_start3A_52 : memref<6400xi32, #tpu.memory_space<hbm>>) target(%dma_start3A_51 : memref<6400xi32, #tpu.memory_space<vmem>>) target_semaphore(%arg10 : memref<!tpu.dma_semaphore, #tpu.memory_space<semaphore_mem>>)
    %scan3A_53 = arith.constant 0 : i32
    %scan3A_54 = arith.constant 0 : i32
    %scan3A_55 = arith.constant 2 : i32
    %scan3A_56 = arith.addi %scan3A_54, %scan3A_55 : i32
    %scan3A_57 = arith.constant 1 : i32
    scf.for %scan3A_75 = %scan3A_54 to %scan3A_56 step %scan3A_57  : i32 {
      %mul3A_76 = arith.constant 2 : i32
      %mul3A_77 = arith.muli %mul3A_76, %scan3A_75 : i32
      %add3A_78 = arith.constant 1 : i32
      %add3A_79 = arith.addi %mul3A_77, %add3A_78 : i32
      %mul3A_80 = arith.constant 6400 : i32
      %mul3A_81 = arith.muli %add3A_79, %mul3A_80 : i32
      %add3A_82 = arith.addi %mul3A_44, %mul3A_81 : i32
      %dma_start3A_83 = arith.constant 0 : i32
      %dma_start3A_84 = tpu.memref_slice %arg8[%dma_start3A_83] : memref<9600xi32, #tpu.memory_space<vmem>> -> memref<6400xi32, #tpu.memory_space<vmem>>
      %dma_start3A_85 = tpu.memref_slice %arg4[%add3A_82] : memref<819200xi32, #tpu.memory_space<hbm>> -> memref<6400xi32, #tpu.memory_space<hbm>>
      %dma_start3A_86 = arith.constant 0 : i32
      %dma_start3A_87 = tpu.memref_slice %arg8[%dma_start3A_86] : memref<9600xi32, #tpu.memory_space<vmem>> -> memref<6400xi32, #tpu.memory_space<vmem>>
      %dma_start3A_88 = tpu.memref_slice %arg4[%add3A_82] : memref<819200xi32, #tpu.memory_space<hbm>> -> memref<6400xi32, #tpu.memory_space<hbm>>
      tpu.enqueue_dma source(%dma_start3A_88 : memref<6400xi32, #tpu.memory_space<hbm>>) target(%dma_start3A_87 : memref<6400xi32, #tpu.memory_space<vmem>>) target_semaphore(%arg11 : memref<!tpu.dma_semaphore, #tpu.memory_space<semaphore_mem>>)
      %add3A_89 = arith.constant 0 : i32
      %add3A_90 = arith.addi %mul3A_44, %add3A_89 : i32
      %dma_wait3A = arith.constant 0 : i32
      %dma_wait3A_91 = tpu.memref_slice %arg7[%dma_wait3A] : memref<9600xi32, #tpu.memory_space<vmem>> -> memref<6400xi32, #tpu.memory_space<vmem>>
      %dma_wait3A_92 = tpu.memref_slice %arg4[%add3A_90] : memref<819200xi32, #tpu.memory_space<hbm>> -> memref<6400xi32, #tpu.memory_space<hbm>>
      %dma_wait3A_93 = arith.constant 0 : i32
      %dma_wait3A_94 = tpu.memref_slice %arg7[%dma_wait3A_93] : memref<9600xi32, #tpu.memory_space<vmem>> -> memref<6400xi32, #tpu.memory_space<vmem>>
      %dma_wait3A_95 = tpu.memref_slice %arg4[%add3A_90] : memref<819200xi32, #tpu.memory_space<hbm>> -> memref<6400xi32, #tpu.memory_space<hbm>>
      tpu.wait_dma2 semaphore(%arg10 : memref<!tpu.dma_semaphore, #tpu.memory_space<semaphore_mem>>) src(%dma_wait3A_95 : memref<6400xi32, #tpu.memory_space<hbm>>) dst(%dma_wait3A_94 : memref<6400xi32, #tpu.memory_space<vmem>>)
      %parallel_loop3A = arith.constant 0 : i32
      %parallel_loop3A_96 = arith.constant 400 : i32
      %parallel_loop3A_97 = arith.constant 1 : i32
      scf.for %parallel_loop3A_113 = %parallel_loop3A to %parallel_loop3A_96 step %parallel_loop3A_97  : i32 {
        %parallel_loop3A_114 = arith.constant 16 : i32
        %parallel_loop3A_115 = arith.muli %parallel_loop3A_113, %parallel_loop3A_114 : i32
        %parallel_loop3A_116 = arith.index_cast %parallel_loop3A_115 : i32 to index
        %parallel_loop3A_117 = tpu.vector_load %arg7[%parallel_loop3A_116] {strides = array<i32>} : memref<9600xi32, #tpu.memory_space<vmem>>, vector<16xi32>,
        %parallel_loop3A_118 = arith.addi %parallel_loop3A_117, %mul3A_3 : vector<16xi32>
        tpu.vector_store_idx %arg9[%parallel_loop3A_118], %broadcast_in_dim3A_4 {add = true} : memref<75776xf32, #tpu.memory_space<vmem>>[vector<16xi32>], vector<16xf32>,
      } {sc.loop_unroll_factor = 16 : i64, sc.parallel_access}
      %add3A_98 = arith.constant 2 : i32
      %add3A_99 = arith.addi %mul3A_77, %add3A_98 : i32
      %lt3A = arith.constant 4 : i32
      %lt3A_100 = arith.cmpi slt, %add3A_99, %lt3A : i32
      %convert_element_type3A = arith.extui %lt3A_100 : i1 to i32
      %cond3A = arith.constant 0 : i32
      %cond3A_101 = arith.cmpi ne, %convert_element_type3A, %cond3A : i32
      scf.if %cond3A_101 {
        %add3A_113 = arith.constant 2 : i32
        %add3A_114 = arith.addi %mul3A_77, %add3A_113 : i32
        %mul3A_115 = arith.constant 6400 : i32
        %mul3A_116 = arith.muli %add3A_114, %mul3A_115 : i32
        %add3A_117 = arith.addi %mul3A_44, %mul3A_116 : i32
        %dma_start3A_118 = arith.constant 0 : i32
        %dma_start3A_119 = tpu.memref_slice %arg7[%dma_start3A_118] : memref<9600xi32, #tpu.memory_space<vmem>> -> memref<6400xi32, #tpu.memory_space<vmem>>
        %dma_start3A_120 = tpu.memref_slice %arg4[%add3A_117] : memref<819200xi32, #tpu.memory_space<hbm>> -> memref<6400xi32, #tpu.memory_space<hbm>>
        %dma_start3A_121 = arith.constant 0 : i32
        %dma_start3A_122 = tpu.memref_slice %arg7[%dma_start3A_121] : memref<9600xi32, #tpu.memory_space<vmem>> -> memref<6400xi32, #tpu.memory_space<vmem>>
        %dma_start3A_123 = tpu.memref_slice %arg4[%add3A_117] : memref<819200xi32, #tpu.memory_space<hbm>> -> memref<6400xi32, #tpu.memory_space<hbm>>
        tpu.enqueue_dma source(%dma_start3A_123 : memref<6400xi32, #tpu.memory_space<hbm>>) target(%dma_start3A_122 : memref<6400xi32, #tpu.memory_space<vmem>>) target_semaphore(%arg10 : memref<!tpu.dma_semaphore, #tpu.memory_space<semaphore_mem>>)
      } else {
      }
      %add3A_102 = arith.constant 0 : i32
      %add3A_103 = arith.addi %mul3A_44, %add3A_102 : i32
      %dma_wait3A_104 = arith.constant 0 : i32
      %dma_wait3A_105 = tpu.memref_slice %arg8[%dma_wait3A_104] : memref<9600xi32, #tpu.memory_space<vmem>> -> memref<6400xi32, #tpu.memory_space<vmem>>
      %dma_wait3A_106 = tpu.memref_slice %arg4[%add3A_103] : memref<819200xi32, #tpu.memory_space<hbm>> -> memref<6400xi32, #tpu.memory_space<hbm>>
      %dma_wait3A_107 = arith.constant 0 : i32
      %dma_wait3A_108 = tpu.memref_slice %arg8[%dma_wait3A_107] : memref<9600xi32, #tpu.memory_space<vmem>> -> memref<6400xi32, #tpu.memory_space<vmem>>
      %dma_wait3A_109 = tpu.memref_slice %arg4[%add3A_103] : memref<819200xi32, #tpu.memory_space<hbm>> -> memref<6400xi32, #tpu.memory_space<hbm>>
      tpu.wait_dma2 semaphore(%arg11 : memref<!tpu.dma_semaphore, #tpu.memory_space<semaphore_mem>>) src(%dma_wait3A_109 : memref<6400xi32, #tpu.memory_space<hbm>>) dst(%dma_wait3A_108 : memref<6400xi32, #tpu.memory_space<vmem>>)
      %parallel_loop3A_110 = arith.constant 0 : i32
      %parallel_loop3A_111 = arith.constant 400 : i32
      %parallel_loop3A_112 = arith.constant 1 : i32
      scf.for %parallel_loop3A_113 = %parallel_loop3A_110 to %parallel_loop3A_111 step %parallel_loop3A_112  : i32 {
        %parallel_loop3A_114 = arith.constant 16 : i32
        %parallel_loop3A_115 = arith.muli %parallel_loop3A_113, %parallel_loop3A_114 : i32
        %parallel_loop3A_116 = arith.index_cast %parallel_loop3A_115 : i32 to index
        %parallel_loop3A_117 = tpu.vector_load %arg8[%parallel_loop3A_116] {strides = array<i32>} : memref<9600xi32, #tpu.memory_space<vmem>>, vector<16xi32>,
        %parallel_loop3A_118 = arith.addi %parallel_loop3A_117, %mul3A_3 : vector<16xi32>
        tpu.vector_store_idx %arg9[%parallel_loop3A_118], %broadcast_in_dim3A_4 {add = true} : memref<75776xf32, #tpu.memory_space<vmem>>[vector<16xi32>], vector<16xf32>,
      } {sc.loop_unroll_factor = 16 : i64, sc.parallel_access}
    }
    %scan3A_58 = arith.constant 2 : i32
    %mul3A_59 = arith.constant 25600 : i32
    %mul3A_60 = arith.muli %add3A, %mul3A_59 : i32
    %add3A_61 = arith.constant 0 : i32
    %add3A_62 = arith.addi %mul3A_60, %add3A_61 : i32
    %dma_start3A_63 = arith.constant 0 : i32
    %dma_start3A_64 = tpu.memref_slice %arg7[%dma_start3A_63] : memref<9600xi32, #tpu.memory_space<vmem>> -> memref<6400xi32, #tpu.memory_space<vmem>>
    %dma_start3A_65 = tpu.memref_slice %arg5[%add3A_62] : memref<819200xi32, #tpu.memory_space<hbm>> -> memref<6400xi32, #tpu.memory_space<hbm>>
    %dma_start3A_66 = arith.constant 0 : i32
    %dma_start3A_67 = tpu.memref_slice %arg7[%dma_start3A_66] : memref<9600xi32, #tpu.memory_space<vmem>> -> memref<6400xi32, #tpu.memory_space<vmem>>
    %dma_start3A_68 = tpu.memref_slice %arg5[%add3A_62] : memref<819200xi32, #tpu.memory_space<hbm>> -> memref<6400xi32, #tpu.memory_space<hbm>>
    tpu.enqueue_dma source(%dma_start3A_68 : memref<6400xi32, #tpu.memory_space<hbm>>) target(%dma_start3A_67 : memref<6400xi32, #tpu.memory_space<vmem>>) target_semaphore(%arg10 : memref<!tpu.dma_semaphore, #tpu.memory_space<semaphore_mem>>)
    %scan3A_69 = arith.constant 0 : i32
    %scan3A_70 = arith.constant 0 : i32
    %scan3A_71 = arith.constant 2 : i32
    %scan3A_72 = arith.addi %scan3A_70, %scan3A_71 : i32
    %scan3A_73 = arith.constant 1 : i32
    scf.for %scan3A_75 = %scan3A_70 to %scan3A_72 step %scan3A_73  : i32 {
      %mul3A_76 = arith.constant 2 : i32
      %mul3A_77 = arith.muli %mul3A_76, %scan3A_75 : i32
      %add3A_78 = arith.constant 1 : i32
      %add3A_79 = arith.addi %mul3A_77, %add3A_78 : i32
      %mul3A_80 = arith.constant 6400 : i32
      %mul3A_81 = arith.muli %add3A_79, %mul3A_80 : i32
      %add3A_82 = arith.addi %mul3A_60, %mul3A_81 : i32
      %dma_start3A_83 = arith.constant 0 : i32
      %dma_start3A_84 = tpu.memref_slice %arg8[%dma_start3A_83] : memref<9600xi32, #tpu.memory_space<vmem>> -> memref<6400xi32, #tpu.memory_space<vmem>>
      %dma_start3A_85 = tpu.memref_slice %arg5[%add3A_82] : memref<819200xi32, #tpu.memory_space<hbm>> -> memref<6400xi32, #tpu.memory_space<hbm>>
      %dma_start3A_86 = arith.constant 0 : i32
      %dma_start3A_87 = tpu.memref_slice %arg8[%dma_start3A_86] : memref<9600xi32, #tpu.memory_space<vmem>> -> memref<6400xi32, #tpu.memory_space<vmem>>
      %dma_start3A_88 = tpu.memref_slice %arg5[%add3A_82] : memref<819200xi32, #tpu.memory_space<hbm>> -> memref<6400xi32, #tpu.memory_space<hbm>>
      tpu.enqueue_dma source(%dma_start3A_88 : memref<6400xi32, #tpu.memory_space<hbm>>) target(%dma_start3A_87 : memref<6400xi32, #tpu.memory_space<vmem>>) target_semaphore(%arg11 : memref<!tpu.dma_semaphore, #tpu.memory_space<semaphore_mem>>)
      %add3A_89 = arith.constant 0 : i32
      %add3A_90 = arith.addi %mul3A_60, %add3A_89 : i32
      %dma_wait3A = arith.constant 0 : i32
      %dma_wait3A_91 = tpu.memref_slice %arg7[%dma_wait3A] : memref<9600xi32, #tpu.memory_space<vmem>> -> memref<6400xi32, #tpu.memory_space<vmem>>
      %dma_wait3A_92 = tpu.memref_slice %arg5[%add3A_90] : memref<819200xi32, #tpu.memory_space<hbm>> -> memref<6400xi32, #tpu.memory_space<hbm>>
      %dma_wait3A_93 = arith.constant 0 : i32
      %dma_wait3A_94 = tpu.memref_slice %arg7[%dma_wait3A_93] : memref<9600xi32, #tpu.memory_space<vmem>> -> memref<6400xi32, #tpu.memory_space<vmem>>
      %dma_wait3A_95 = tpu.memref_slice %arg5[%add3A_90] : memref<819200xi32, #tpu.memory_space<hbm>> -> memref<6400xi32, #tpu.memory_space<hbm>>
      tpu.wait_dma2 semaphore(%arg10 : memref<!tpu.dma_semaphore, #tpu.memory_space<semaphore_mem>>) src(%dma_wait3A_95 : memref<6400xi32, #tpu.memory_space<hbm>>) dst(%dma_wait3A_94 : memref<6400xi32, #tpu.memory_space<vmem>>)
      %parallel_loop3A = arith.constant 0 : i32
      %parallel_loop3A_96 = arith.constant 50 : i32
      %parallel_loop3A_97 = arith.constant 1 : i32
      scf.for %parallel_loop3A_113 = %parallel_loop3A to %parallel_loop3A_96 step %parallel_loop3A_97  : i32 {
        %parallel_loop3A_114 = arith.constant 128 : i32
        %parallel_loop3A_115 = arith.muli %parallel_loop3A_113, %parallel_loop3A_114 : i32
        %parallel_loop3A_116 = arith.constant 0 : i32
        %parallel_loop3A_117 = arith.addi %parallel_loop3A_115, %parallel_loop3A_116 : i32
        %parallel_loop3A_118 = arith.index_cast %parallel_loop3A_117 : i32 to index
        %parallel_loop3A_119 = tpu.vector_load %arg7[%parallel_loop3A_118] {strides = array<i32>} : memref<9600xi32, #tpu.memory_space<vmem>>, vector<16xi32>,
        %parallel_loop3A_120 = arith.addi %parallel_loop3A_119, %mul3A_3 : vector<16xi32>
        tpu.vector_store_idx %arg9[%parallel_loop3A_120], %broadcast_in_dim3A_4 {add = true} : memref<75776xf32, #tpu.memory_space<vmem>>[vector<16xi32>], vector<16xf32>,
        %parallel_loop3A_121 = arith.constant 128 : i32
        %parallel_loop3A_122 = arith.muli %parallel_loop3A_113, %parallel_loop3A_121 : i32
        %parallel_loop3A_123 = arith.constant 16 : i32
        %parallel_loop3A_124 = arith.addi %parallel_loop3A_122, %parallel_loop3A_123 : i32
        %parallel_loop3A_125 = arith.index_cast %parallel_loop3A_124 : i32 to index
        %parallel_loop3A_126 = tpu.vector_load %arg7[%parallel_loop3A_125] {strides = array<i32>} : memref<9600xi32, #tpu.memory_space<vmem>>, vector<16xi32>,
        %parallel_loop3A_127 = arith.addi %parallel_loop3A_126, %mul3A_3 : vector<16xi32>
        tpu.vector_store_idx %arg9[%parallel_loop3A_127], %broadcast_in_dim3A_4 {add = true} : memref<75776xf32, #tpu.memory_space<vmem>>[vector<16xi32>], vector<16xf32>,
        %parallel_loop3A_128 = arith.constant 128 : i32
        %parallel_loop3A_129 = arith.muli %parallel_loop3A_113, %parallel_loop3A_128 : i32
        %parallel_loop3A_130 = arith.constant 32 : i32
        %parallel_loop3A_131 = arith.addi %parallel_loop3A_129, %parallel_loop3A_130 : i32
        %parallel_loop3A_132 = arith.index_cast %parallel_loop3A_131 : i32 to index
        %parallel_loop3A_133 = tpu.vector_load %arg7[%parallel_loop3A_132] {strides = array<i32>} : memref<9600xi32, #tpu.memory_space<vmem>>, vector<16xi32>,
        %parallel_loop3A_134 = arith.addi %parallel_loop3A_133, %mul3A_3 : vector<16xi32>
        tpu.vector_store_idx %arg9[%parallel_loop3A_134], %broadcast_in_dim3A_4 {add = true} : memref<75776xf32, #tpu.memory_space<vmem>>[vector<16xi32>], vector<16xf32>,
        %parallel_loop3A_135 = arith.constant 128 : i32
        %parallel_loop3A_136 = arith.muli %parallel_loop3A_113, %parallel_loop3A_135 : i32
        %parallel_loop3A_137 = arith.constant 48 : i32
        %parallel_loop3A_138 = arith.addi %parallel_loop3A_136, %parallel_loop3A_137 : i32
        %parallel_loop3A_139 = arith.index_cast %parallel_loop3A_138 : i32 to index
        %parallel_loop3A_140 = tpu.vector_load %arg7[%parallel_loop3A_139] {strides = array<i32>} : memref<9600xi32, #tpu.memory_space<vmem>>, vector<16xi32>,
        %parallel_loop3A_141 = arith.addi %parallel_loop3A_140, %mul3A_3 : vector<16xi32>
        tpu.vector_store_idx %arg9[%parallel_loop3A_141], %broadcast_in_dim3A_4 {add = true} : memref<75776xf32, #tpu.memory_space<vmem>>[vector<16xi32>], vector<16xf32>,
        %parallel_loop3A_142 = arith.constant 128 : i32
        %parallel_loop3A_143 = arith.muli %parallel_loop3A_113, %parallel_loop3A_142 : i32
        %parallel_loop3A_144 = arith.constant 64 : i32
        %parallel_loop3A_145 = arith.addi %parallel_loop3A_143, %parallel_loop3A_144 : i32
        %parallel_loop3A_146 = arith.index_cast %parallel_loop3A_145 : i32 to index
        %parallel_loop3A_147 = tpu.vector_load %arg7[%parallel_loop3A_146] {strides = array<i32>} : memref<9600xi32, #tpu.memory_space<vmem>>, vector<16xi32>,
        %parallel_loop3A_148 = arith.addi %parallel_loop3A_147, %mul3A_3 : vector<16xi32>
        tpu.vector_store_idx %arg9[%parallel_loop3A_148], %broadcast_in_dim3A_4 {add = true} : memref<75776xf32, #tpu.memory_space<vmem>>[vector<16xi32>], vector<16xf32>,
      } {sc.loop_unroll_factor = 2 : i64, sc.parallel_access}
      %add3A_98 = arith.constant 2 : i32
      %add3A_99 = arith.addi %mul3A_77, %add3A_98 : i32
      %lt3A = arith.constant 4 : i32
      %lt3A_100 = arith.cmpi slt, %add3A_99, %lt3A : i32
      %convert_element_type3A = arith.extui %lt3A_100 : i1 to i32
      %cond3A = arith.constant 0 : i32
      %cond3A_101 = arith.cmpi ne, %convert_element_type3A, %cond3A : i32
      scf.if %cond3A_101 {
        %add3A_113 = arith.constant 2 : i32
        %add3A_114 = arith.addi %mul3A_77, %add3A_113 : i32
        %mul3A_115 = arith.constant 6400 : i32
        %mul3A_116 = arith.muli %add3A_114, %mul3A_115 : i32
        %add3A_117 = arith.addi %mul3A_60, %mul3A_116 : i32
        %dma_start3A_118 = arith.constant 0 : i32
        %dma_start3A_119 = tpu.memref_slice %arg7[%dma_start3A_118] : memref<9600xi32, #tpu.memory_space<vmem>> -> memref<6400xi32, #tpu.memory_space<vmem>>
        %dma_start3A_120 = tpu.memref_slice %arg5[%add3A_117] : memref<819200xi32, #tpu.memory_space<hbm>> -> memref<6400xi32, #tpu.memory_space<hbm>>
        %dma_start3A_121 = arith.constant 0 : i32
        %dma_start3A_122 = tpu.memref_slice %arg7[%dma_start3A_121] : memref<9600xi32, #tpu.memory_space<vmem>> -> memref<6400xi32, #tpu.memory_space<vmem>>
        %dma_start3A_123 = tpu.memref_slice %arg5[%add3A_117] : memref<819200xi32, #tpu.memory_space<hbm>> -> memref<6400xi32, #tpu.memory_space<hbm>>
        tpu.enqueue_dma source(%dma_start3A_123 : memref<6400xi32, #tpu.memory_space<hbm>>) target(%dma_start3A_122 : memref<6400xi32, #tpu.memory_space<vmem>>) target_semaphore(%arg10 : memref<!tpu.dma_semaphore, #tpu.memory_space<semaphore_mem>>)
      } else {
      }
      %add3A_102 = arith.constant 0 : i32
      %add3A_103 = arith.addi %mul3A_60, %add3A_102 : i32
      %dma_wait3A_104 = arith.constant 0 : i32
      %dma_wait3A_105 = tpu.memref_slice %arg8[%dma_wait3A_104] : memref<9600xi32, #tpu.memory_space<vmem>> -> memref<6400xi32, #tpu.memory_space<vmem>>
      %dma_wait3A_106 = tpu.memref_slice %arg5[%add3A_103] : memref<819200xi32, #tpu.memory_space<hbm>> -> memref<6400xi32, #tpu.memory_space<hbm>>
      %dma_wait3A_107 = arith.constant 0 : i32
      %dma_wait3A_108 = tpu.memref_slice %arg8[%dma_wait3A_107] : memref<9600xi32, #tpu.memory_space<vmem>> -> memref<6400xi32, #tpu.memory_space<vmem>>
      %dma_wait3A_109 = tpu.memref_slice %arg5[%add3A_103] : memref<819200xi32, #tpu.memory_space<hbm>> -> memref<6400xi32, #tpu.memory_space<hbm>>
      tpu.wait_dma2 semaphore(%arg11 : memref<!tpu.dma_semaphore, #tpu.memory_space<semaphore_mem>>) src(%dma_wait3A_109 : memref<6400xi32, #tpu.memory_space<hbm>>) dst(%dma_wait3A_108 : memref<6400xi32, #tpu.memory_space<vmem>>)
      %parallel_loop3A_110 = arith.constant 0 : i32
      %parallel_loop3A_111 = arith.constant 50 : i32
      %parallel_loop3A_112 = arith.constant 1 : i32
      scf.for %parallel_loop3A_113 = %parallel_loop3A_110 to %parallel_loop3A_111 step %parallel_loop3A_112  : i32 {
        %parallel_loop3A_114 = arith.constant 128 : i32
        %parallel_loop3A_115 = arith.muli %parallel_loop3A_113, %parallel_loop3A_114 : i32
        %parallel_loop3A_116 = arith.constant 0 : i32
        %parallel_loop3A_117 = arith.addi %parallel_loop3A_115, %parallel_loop3A_116 : i32
        %parallel_loop3A_118 = arith.index_cast %parallel_loop3A_117 : i32 to index
        %parallel_loop3A_119 = tpu.vector_load %arg8[%parallel_loop3A_118] {strides = array<i32>} : memref<9600xi32, #tpu.memory_space<vmem>>, vector<16xi32>,
        %parallel_loop3A_120 = arith.addi %parallel_loop3A_119, %mul3A_3 : vector<16xi32>
        tpu.vector_store_idx %arg9[%parallel_loop3A_120], %broadcast_in_dim3A_4 {add = true} : memref<75776xf32, #tpu.memory_space<vmem>>[vector<16xi32>], vector<16xf32>,
        %parallel_loop3A_121 = arith.constant 128 : i32
        %parallel_loop3A_122 = arith.muli %parallel_loop3A_113, %parallel_loop3A_121 : i32
        %parallel_loop3A_123 = arith.constant 16 : i32
        %parallel_loop3A_124 = arith.addi %parallel_loop3A_122, %parallel_loop3A_123 : i32
        %parallel_loop3A_125 = arith.index_cast %parallel_loop3A_124 : i32 to index
        %parallel_loop3A_126 = tpu.vector_load %arg8[%parallel_loop3A_125] {strides = array<i32>} : memref<9600xi32, #tpu.memory_space<vmem>>, vector<16xi32>,
        %parallel_loop3A_127 = arith.addi %parallel_loop3A_126, %mul3A_3 : vector<16xi32>
        tpu.vector_store_idx %arg9[%parallel_loop3A_127], %broadcast_in_dim3A_4 {add = true} : memref<75776xf32, #tpu.memory_space<vmem>>[vector<16xi32>], vector<16xf32>,
        %parallel_loop3A_128 = arith.constant 128 : i32
        %parallel_loop3A_129 = arith.muli %parallel_loop3A_113, %parallel_loop3A_128 : i32
        %parallel_loop3A_130 = arith.constant 32 : i32
        %parallel_loop3A_131 = arith.addi %parallel_loop3A_129, %parallel_loop3A_130 : i32
        %parallel_loop3A_132 = arith.index_cast %parallel_loop3A_131 : i32 to index
        %parallel_loop3A_133 = tpu.vector_load %arg8[%parallel_loop3A_132] {strides = array<i32>} : memref<9600xi32, #tpu.memory_space<vmem>>, vector<16xi32>,
        %parallel_loop3A_134 = arith.addi %parallel_loop3A_133, %mul3A_3 : vector<16xi32>
        tpu.vector_store_idx %arg9[%parallel_loop3A_134], %broadcast_in_dim3A_4 {add = true} : memref<75776xf32, #tpu.memory_space<vmem>>[vector<16xi32>], vector<16xf32>,
        %parallel_loop3A_135 = arith.constant 128 : i32
        %parallel_loop3A_136 = arith.muli %parallel_loop3A_113, %parallel_loop3A_135 : i32
        %parallel_loop3A_137 = arith.constant 48 : i32
        %parallel_loop3A_138 = arith.addi %parallel_loop3A_136, %parallel_loop3A_137 : i32
        %parallel_loop3A_139 = arith.index_cast %parallel_loop3A_138 : i32 to index
        %parallel_loop3A_140 = tpu.vector_load %arg8[%parallel_loop3A_139] {strides = array<i32>} : memref<9600xi32, #tpu.memory_space<vmem>>, vector<16xi32>,
        %parallel_loop3A_141 = arith.addi %parallel_loop3A_140, %mul3A_3 : vector<16xi32>
        tpu.vector_store_idx %arg9[%parallel_loop3A_141], %broadcast_in_dim3A_4 {add = true} : memref<75776xf32, #tpu.memory_space<vmem>>[vector<16xi32>], vector<16xf32>,
        %parallel_loop3A_142 = arith.constant 128 : i32
        %parallel_loop3A_143 = arith.muli %parallel_loop3A_113, %parallel_loop3A_142 : i32
        %parallel_loop3A_144 = arith.constant 64 : i32
        %parallel_loop3A_145 = arith.addi %parallel_loop3A_143, %parallel_loop3A_144 : i32
        %parallel_loop3A_146 = arith.index_cast %parallel_loop3A_145 : i32 to index
        %parallel_loop3A_147 = tpu.vector_load %arg8[%parallel_loop3A_146] {strides = array<i32>} : memref<9600xi32, #tpu.memory_space<vmem>>, vector<16xi32>,
        %parallel_loop3A_148 = arith.addi %parallel_loop3A_147, %mul3A_3 : vector<16xi32>
        tpu.vector_store_idx %arg9[%parallel_loop3A_148], %broadcast_in_dim3A_4 {add = true} : memref<75776xf32, #tpu.memory_space<vmem>>[vector<16xi32>], vector<16xf32>,
      } {sc.loop_unroll_factor = 2 : i64, sc.parallel_access}
    }
    %scan3A_74 = arith.constant 2 : i32
    "tpu.region"() ({
      %run_scoped3A = tpu.sem_alloc : memref<!tpu.dma_semaphore, #tpu.memory_space<semaphore_mem>>
      %dma_start3A_75 = arith.constant 0 : i32
      %dma_start3A_76 = tpu.memref_slice %arg6[%add3A, %dma_start3A_75] : memref<32x75776xf32, #tpu.memory_space<hbm>> -> memref<1x75776xf32, #tpu.memory_space<hbm>>
      %dma_start3A_77 = tpu.memref_squeeze %dma_start3A_76 : memref<1x75776xf32, #tpu.memory_space<hbm>> -> memref<75776xf32, #tpu.memory_space<hbm>>
      %dma_start3A_78 = arith.constant 0 : i32
      %dma_start3A_79 = tpu.memref_slice %arg6[%add3A, %dma_start3A_78] : memref<32x75776xf32, #tpu.memory_space<hbm>> -> memref<1x75776xf32, #tpu.memory_space<hbm>>
      %dma_start3A_80 = tpu.memref_squeeze %dma_start3A_79 : memref<1x75776xf32, #tpu.memory_space<hbm>> -> memref<75776xf32, #tpu.memory_space<hbm>>
      tpu.enqueue_dma source(%arg9 : memref<75776xf32, #tpu.memory_space<vmem>>) target(%dma_start3A_80 : memref<75776xf32, #tpu.memory_space<hbm>>) target_semaphore(%run_scoped3A : memref<!tpu.dma_semaphore, #tpu.memory_space<semaphore_mem>>)
      %dma_wait3A = arith.constant 0 : i32
      %dma_wait3A_81 = tpu.memref_slice %arg6[%add3A, %dma_wait3A] : memref<32x75776xf32, #tpu.memory_space<hbm>> -> memref<1x75776xf32, #tpu.memory_space<hbm>>
      %dma_wait3A_82 = tpu.memref_squeeze %dma_wait3A_81 : memref<1x75776xf32, #tpu.memory_space<hbm>> -> memref<75776xf32, #tpu.memory_space<hbm>>
      %dma_wait3A_83 = arith.constant 0 : i32
      %dma_wait3A_84 = tpu.memref_slice %arg6[%add3A, %dma_wait3A_83] : memref<32x75776xf32, #tpu.memory_space<hbm>> -> memref<1x75776xf32, #tpu.memory_space<hbm>>
      %dma_wait3A_85 = tpu.memref_squeeze %dma_wait3A_84 : memref<1x75776xf32, #tpu.memory_space<hbm>> -> memref<75776xf32, #tpu.memory_space<hbm>>
      tpu.wait_dma2 semaphore(%run_scoped3A : memref<!tpu.dma_semaphore, #tpu.memory_space<semaphore_mem>>) src(%arg9 : memref<75776xf32, #tpu.memory_space<vmem>>) dst(%dma_wait3A_85 : memref<75776xf32, #tpu.memory_space<hbm>>)
      tpu.yield
    }) : () -> ()
    return
  }
}

module attributes {stable_mosaic.version = 14 : i64} {
  func.func @_stage3_body(%arg0: memref<512x37x128xf32, #tpu.memory_space<vmem>>, %arg1: memref<1x1xf32, #tpu.memory_space<smem>>) attributes {dimension_semantics = [], scalar_prefetch = 0 : i64, scratch_operands = 0 : i64, tpu.core_type = #tpu.core_type<tc>} {
    %get3A = arith.constant 0 : index
    %get3A_0 = arith.constant 0 : index
    %get3A_1 = arith.constant 0 : index
    %get3A_2 = vector.load %arg0[%get3A, %get3A_0, %get3A_1] : memref<512x37x128xf32, #tpu.memory_space<vmem>>, vector<512x37x128xf32>
    %reduce_sum3A = arith.constant dense<0.000000e+00> : vector<37x128xf32>
    %reduce_sum3A_3 = vector.multi_reduction <add>, %get3A_2, %reduce_sum3A [0] : vector<512x37x128xf32> to vector<37x128xf32>
    %slice3A = vector.extract_strided_slice %reduce_sum3A_3 {offsets = [0, 0], sizes = [18, 128], strides = [1, 1]} : vector<37x128xf32> to vector<18x128xf32>
    %slice3A_4 = vector.extract_strided_slice %reduce_sum3A_3 {offsets = [18, 0], sizes = [18, 128], strides = [1, 1]} : vector<37x128xf32> to vector<18x128xf32>
    %reduce_sum3A_5 = arith.constant dense<0.000000e+00> : vector<18xf32>
    %reduce_sum3A_6 = vector.multi_reduction <add>, %slice3A_4, %reduce_sum3A_5 [1] : vector<18x128xf32> to vector<18xf32>
    %broadcast_in_dim3A = vector.shape_cast %reduce_sum3A_6 : vector<18xf32> to vector<18x1xf32>
    %iota3A = tpu.iota {dimensions = array<i32: 0>} : vector<128x128xi32>
    %iota3A_7 = tpu.iota {dimensions = array<i32: 1>} : vector<128x128xi32>
    %ge3A = arith.cmpi sge, %iota3A, %iota3A_7 : vector<128x128xi32>
    %convert_element_type3A = arith.extui %ge3A : vector<128x128xi1> to vector<128x128xi32>
    %convert_element_type3A_8 = arith.sitofp %convert_element_type3A : vector<128x128xi32> to vector<128x128xf32>
    %dot_general3A = arith.constant dense<0.000000e+00> : vector<18x128xf32>
    %dot_general3A_9 = tpu.matmul %slice3A, %convert_element_type3A_8, %dot_general3A {dimension_numbers = #tpu.dot_dimension_numbers<[1], [0], [0], [1], [0, 0, 1, 1], [], []>, transpose_lhs_hint = false} : vector<18x128xf32>, vector<128x128xf32>, vector<18x128xf32> -> vector<18x128xf32>
    %dot_general3A_10 = arith.constant dense<0.000000e+00> : vector<18x128xf32>
    %dot_general3A_11 = tpu.matmul %slice3A_4, %convert_element_type3A_8, %dot_general3A_10 {dimension_numbers = #tpu.dot_dimension_numbers<[1], [0], [0], [1], [0, 0, 1, 1], [], []>, transpose_lhs_hint = false} : vector<18x128xf32>, vector<128x128xf32>, vector<18x128xf32> -> vector<18x128xf32>
    %sub3A = vector.broadcast %broadcast_in_dim3A : vector<18x1xf32> to vector<18x128xf32>
    %sub3A_12 = arith.subf %sub3A, %dot_general3A_11 : vector<18x128xf32>
    %add3A = vector.broadcast %broadcast_in_dim3A : vector<18x1xf32> to vector<18x128xf32>
    %add3A_13 = arith.addf %add3A, %dot_general3A_9 : vector<18x128xf32>
    %sub3A_14 = arith.subf %add3A_13, %dot_general3A_11 : vector<18x128xf32>
    %max3A = arith.constant 1.000000e+00 : f32
    %max3A_15 = vector.broadcast %max3A : f32 to vector<18x128xf32>
    %max3A_16 = arith.maximumf %sub3A_14, %max3A_15 : vector<18x128xf32>
    %div3A = arith.divf %sub3A_12, %max3A_16 : vector<18x128xf32>
    %sub3A_17 = arith.constant 1.000000e+00 : f32
    %sub3A_18 = vector.broadcast %sub3A_17 : f32 to vector<18x128xf32>
    %sub3A_19 = arith.subf %sub3A_18, %div3A : vector<18x128xf32>
    %reduce_sum3A_20 = arith.constant dense<0.000000e+00> : vector<18xf32>
    %reduce_sum3A_21 = vector.multi_reduction <add>, %sub3A_19, %reduce_sum3A_20 [1] : vector<18x128xf32> to vector<18xf32>
    %broadcast_in_dim3A_22 = vector.shape_cast %reduce_sum3A_21 : vector<18xf32> to vector<18x1xf32>
    %slice3A_23 = vector.extract_strided_slice %sub3A_19 {offsets = [0, 0], sizes = [18, 1], strides = [1, 1]} : vector<18x128xf32> to vector<18x1xf32>
    %mul3A = arith.constant 5.000000e-01 : f32
    %mul3A_24 = vector.broadcast %mul3A : f32 to vector<18x1xf32>
    %mul3A_25 = arith.mulf %mul3A_24, %slice3A_23 : vector<18x1xf32>
    %sub3A_26 = arith.subf %broadcast_in_dim3A_22, %mul3A_25 : vector<18x1xf32>
    %div3A_27 = arith.constant 1.280000e+02 : f32
    %div3A_28 = vector.broadcast %div3A_27 : f32 to vector<18x1xf32>
    %div3A_29 = arith.divf %sub3A_26, %div3A_28 : vector<18x1xf32>
    %gt3A = arith.constant 0.000000e+00 : f32
    %gt3A_30 = vector.broadcast %gt3A : f32 to vector<18x1xf32>
    %gt3A_31 = arith.cmpf ogt, %broadcast_in_dim3A, %gt3A_30 : vector<18x1xf32>
    %convert_element_type3A_32 = arith.extui %gt3A_31 : vector<18x1xi1> to vector<18x1xi32>
    %convert_element_type3A_33 = arith.sitofp %convert_element_type3A_32 : vector<18x1xi32> to vector<18x1xf32>
    %mul3A_34 = arith.mulf %div3A_29, %convert_element_type3A_33 : vector<18x1xf32>
    %reduce_sum3A_35 = vector.shape_cast %mul3A_34 : vector<18x1xf32> to vector<1x18x1xf32>
    %reduce_sum3A_36 = arith.constant dense<0.000000e+00> : vector<1xf32>
    %reduce_sum3A_37 = vector.multi_reduction <add>, %reduce_sum3A_35, %reduce_sum3A_36 [1, 2] : vector<1x18x1xf32> to vector<1xf32>
    %reduce_sum3A_38 = vector.shape_cast %reduce_sum3A_37 : vector<1xf32> to vector<1x1x1xf32>
    %reduce_sum3A_39 = vector.extract %reduce_sum3A_38[0, 0, 0] : f32 from vector<1x1x1xf32>
    %reduce_sum3A_40 = vector.shape_cast %convert_element_type3A_33 : vector<18x1xf32> to vector<1x18x1xf32>
    %reduce_sum3A_41 = arith.constant dense<0.000000e+00> : vector<1xf32>
    %reduce_sum3A_42 = vector.multi_reduction <add>, %reduce_sum3A_40, %reduce_sum3A_41 [1, 2] : vector<1x18x1xf32> to vector<1xf32>
    %reduce_sum3A_43 = vector.shape_cast %reduce_sum3A_42 : vector<1xf32> to vector<1x1x1xf32>
    %reduce_sum3A_44 = vector.extract %reduce_sum3A_43[0, 0, 0] : f32 from vector<1x1x1xf32>
    %max3A_45 = arith.constant 1.000000e+00 : f32
    %max3A_46 = arith.maximumf %reduce_sum3A_44, %max3A_45 : f32
    %div3A_47 = arith.divf %reduce_sum3A_39, %max3A_46 : f32
    %swap3A = arith.constant 0 : index
    %swap3A_48 = arith.constant 0 : index
    %swap3A_49 = memref.load %arg1[%swap3A, %swap3A_48] : memref<1x1xf32, #tpu.memory_space<smem>>
    memref.store %div3A_47, %arg1[%swap3A, %swap3A_48] : memref<1x1xf32, #tpu.memory_space<smem>>
    return
  }
}

module attributes {stable_mosaic.version = 14 : i64} {
  func.func @body(%arg0: i32, %arg1: i32, %arg2: memref<1x18x20x16x200xf32, #tpu.memory_space<vmem>>, %arg3: memref<1x20x16x200xi32, #tpu.memory_space<vmem>>, %arg4: memref<1x1x2x18x20x8x128xi32, #tpu.memory_space<vmem>>, %arg5: memref<1x1x2x18x20x8x128xi32, #tpu.memory_space<vmem>>, %arg6: memref<1x1x2x20x8x128xi32, #tpu.memory_space<vmem>>, %arg7: memref<1x1x2x20x8x128xi32, #tpu.memory_space<vmem>>) attributes {dimension_semantics = [#tpu.dimension_semantics<parallel>, #tpu.dimension_semantics<parallel>], iteration_bounds = array<i64: 2, 10>, scalar_prefetch = 0 : i64, scratch_operands = 0 : i64, tpu.core_type = #tpu.core_type<tc>, window_params = [{transform_indices = @transform_0, window_bounds = array<i64: 1, 18, 20, 16, 200>}, {transform_indices = @transform_1, window_bounds = array<i64: 1, 20, 16, 200>}, {transform_indices = @transform_2, window_bounds = array<i64: 1, 1, 2, 18, 20, 8, 128>}, {transform_indices = @transform_3, window_bounds = array<i64: 1, 1, 2, 18, 20, 8, 128>}, {transform_indices = @transform_4, window_bounds = array<i64: 1, 1, 2, 20, 8, 128>}, {transform_indices = @transform_5, window_bounds = array<i64: 1, 1, 2, 20, 8, 128>}]} {
    %get3A = arith.constant 0 : index
    %get3A_0 = arith.constant 0 : index
    %get3A_1 = arith.constant 0 : index
    %get3A_2 = arith.constant 0 : index
    %get3A_3 = arith.constant 0 : index
    %get3A_4 = vector.load %arg2[%get3A, %get3A_0, %get3A_1, %get3A_2, %get3A_3] : memref<1x18x20x16x200xf32, #tpu.memory_space<vmem>>, vector<1x18x20x16x200xf32>
    %get3A_5 = vector.shape_cast %get3A_4 : vector<1x18x20x16x200xf32> to vector<18x20x16x200xf32>
    %reduce_max3A = arith.constant dense<0xFF800000> : vector<20x16x200xf32>
    %reduce_max3A_6 = vector.multi_reduction <maximumf>, %get3A_5, %reduce_max3A [0] : vector<18x20x16x200xf32> to vector<20x16x200xf32>
    %broadcast_in_dim3A = vector.shape_cast %reduce_max3A_6 : vector<20x16x200xf32> to vector<1x20x16x200xf32>
    %sub3A = vector.broadcast %broadcast_in_dim3A : vector<1x20x16x200xf32> to vector<18x20x16x200xf32>
    %sub3A_7 = arith.subf %get3A_5, %sub3A : vector<18x20x16x200xf32>
    %exp3A = math.exp %sub3A_7 : vector<18x20x16x200xf32>
    %reduce_sum3A = arith.constant dense<0.000000e+00> : vector<20x16x200xf32>
    %reduce_sum3A_8 = vector.multi_reduction <add>, %exp3A, %reduce_sum3A [0] : vector<18x20x16x200xf32> to vector<20x16x200xf32>
    %broadcast_in_dim3A_9 = vector.shape_cast %reduce_sum3A_8 : vector<20x16x200xf32> to vector<1x20x16x200xf32>
    %div3A = arith.constant 1.000000e+00 : f32
    %div3A_10 = vector.broadcast %div3A : f32 to vector<1x20x16x200xf32>
    %div3A_11 = arith.divf %div3A_10, %broadcast_in_dim3A_9 : vector<1x20x16x200xf32>
    %mul3A = vector.broadcast %div3A_11 : vector<1x20x16x200xf32> to vector<18x20x16x200xf32>
    %mul3A_12 = arith.mulf %exp3A, %mul3A : vector<18x20x16x200xf32>
    %get3A_13 = arith.constant 0 : index
    %get3A_14 = arith.constant 0 : index
    %get3A_15 = arith.constant 0 : index
    %get3A_16 = arith.constant 0 : index
    %get3A_17 = vector.load %arg3[%get3A_13, %get3A_14, %get3A_15, %get3A_16] : memref<1x20x16x200xi32, #tpu.memory_space<vmem>>, vector<1x20x16x200xi32>
    %get3A_18 = vector.shape_cast %get3A_17 : vector<1x20x16x200xi32> to vector<20x16x200xi32>
    %broadcast_in_dim3A_19 = vector.shape_cast %get3A_18 : vector<20x16x200xi32> to vector<1x20x16x200xi32>
    %iota3A = tpu.iota {dimensions = array<i32: 0>} : vector<18x20x16x200xi32>
    %eq3A = vector.broadcast %broadcast_in_dim3A_19 : vector<1x20x16x200xi32> to vector<18x20x16x200xi32>
    %eq3A_20 = arith.cmpi eq, %eq3A, %iota3A : vector<18x20x16x200xi32>
    %sub3A_21 = arith.constant 1.000000e+00 : f32
    %sub3A_22 = vector.broadcast %sub3A_21 : f32 to vector<18x20x16x200xf32>
    %sub3A_23 = arith.subf %sub3A_22, %mul3A_12 : vector<18x20x16x200xf32>
    %select_n3A = arith.select %eq3A_20, %sub3A_23, %mul3A_12 : vector<18x20x16x200xi1>, vector<18x20x16x200xf32>
    %mul3A_24 = arith.constant 1.280000e+02 : f32
    %mul3A_25 = vector.broadcast %mul3A_24 : f32 to vector<18x20x16x200xf32>
    %mul3A_26 = arith.mulf %select_n3A, %mul3A_25 : vector<18x20x16x200xf32>
    %convert_element_type3A = arith.fptosi %mul3A_26 : vector<18x20x16x200xf32> to vector<18x20x16x200xi32>
    %min3A = arith.constant 127 : i32
    %min3A_27 = vector.broadcast %min3A : i32 to vector<18x20x16x200xi32>
    %min3A_28 = arith.minsi %convert_element_type3A, %min3A_27 : vector<18x20x16x200xi32>
    %mul3A_29 = arith.constant 128 : i32
    %mul3A_30 = vector.broadcast %mul3A_29 : i32 to vector<18x20x16x200xi32>
    %mul3A_31 = arith.muli %iota3A, %mul3A_30 : vector<18x20x16x200xi32>
    %add3A = arith.addi %mul3A_31, %min3A_28 : vector<18x20x16x200xi32>
    %jit3A = arith.constant 0.000000e+00 : f32
    %broadcast_in_dim3A_32 = vector.broadcast %jit3A : f32 to vector<18x20x16x200xf32>
    %select_n3A_33 = arith.select %eq3A_20, %select_n3A, %broadcast_in_dim3A_32 : vector<18x20x16x200xi1>, vector<18x20x16x200xf32>
    %reduce_sum3A_34 = arith.constant dense<0.000000e+00> : vector<20x16x200xf32>
    %reduce_sum3A_35 = vector.multi_reduction <add>, %select_n3A_33, %reduce_sum3A_34 [0] : vector<18x20x16x200xf32> to vector<20x16x200xf32>
    %mul3A_36 = arith.constant 1.280000e+02 : f32
    %mul3A_37 = vector.broadcast %mul3A_36 : f32 to vector<20x16x200xf32>
    %mul3A_38 = arith.mulf %reduce_sum3A_35, %mul3A_37 : vector<20x16x200xf32>
    %convert_element_type3A_39 = arith.fptosi %mul3A_38 : vector<20x16x200xf32> to vector<20x16x200xi32>
    %min3A_40 = arith.constant 127 : i32
    %min3A_41 = vector.broadcast %min3A_40 : i32 to vector<20x16x200xi32>
    %min3A_42 = arith.minsi %convert_element_type3A_39, %min3A_41 : vector<20x16x200xi32>
    %get3A_43 = arith.constant 0 : index
    %get3A_44 = arith.constant 0 : index
    %get3A_45 = arith.constant 0 : index
    %get3A_46 = arith.constant 0 : index
    %get3A_47 = vector.load %arg3[%get3A_43, %get3A_44, %get3A_45, %get3A_46] : memref<1x20x16x200xi32, #tpu.memory_space<vmem>>, vector<1x20x16x200xi32>
    %get3A_48 = vector.shape_cast %get3A_47 : vector<1x20x16x200xi32> to vector<20x16x200xi32>
    %mul3A_49 = arith.constant 128 : i32
    %mul3A_50 = vector.broadcast %mul3A_49 : i32 to vector<20x16x200xi32>
    %mul3A_51 = arith.muli %get3A_48, %mul3A_50 : vector<20x16x200xi32>
    %add3A_52 = arith.constant 2304 : i32
    %add3A_53 = vector.broadcast %add3A_52 : i32 to vector<20x16x200xi32>
    %add3A_54 = arith.addi %add3A_53, %mul3A_51 : vector<20x16x200xi32>
    %add3A_55 = arith.addi %add3A_54, %min3A_42 : vector<20x16x200xi32>
    %broadcast_in_dim3A_56 = arith.constant 4608 : i32
    %broadcast_in_dim3A_57 = vector.broadcast %broadcast_in_dim3A_56 : i32 to vector<18x20x8x56xi32>
    %slice3A = vector.extract_strided_slice %add3A {offsets = [0, 0, 0, 0], sizes = [18, 20, 8, 200], strides = [1, 1, 1, 1]} : vector<18x20x16x200xi32> to vector<18x20x8x200xi32>
    %slice3A_58 = vector.extract_strided_slice %slice3A {offsets = [0, 0, 0, 0], sizes = [18, 20, 8, 128], strides = [1, 1, 1, 1]} : vector<18x20x8x200xi32> to vector<18x20x8x128xi32>
    %swap3A = arith.constant 0 : index
    %swap3A_59 = arith.constant 0 : index
    %swap3A_60 = arith.constant 0 : index
    %swap3A_61 = arith.constant 0 : index
    %swap3A_62 = arith.constant 0 : index
    %swap3A_63 = arith.constant 0 : index
    %swap3A_64 = arith.constant 0 : index
    %swap3A_65 = vector.load %arg4[%swap3A, %swap3A_59, %swap3A_60, %swap3A_61, %swap3A_62, %swap3A_63, %swap3A_64] : memref<1x1x2x18x20x8x128xi32, #tpu.memory_space<vmem>>, vector<1x1x1x18x20x8x128xi32>
    %swap3A_66 = vector.shape_cast %swap3A_65 : vector<1x1x1x18x20x8x128xi32> to vector<18x20x8x128xi32>
    %swap3A_67 = vector.shape_cast %slice3A_58 : vector<18x20x8x128xi32> to vector<1x1x1x18x20x8x128xi32>
    tpu.vector_store %arg4[%swap3A, %swap3A_59, %swap3A_60, %swap3A_61, %swap3A_62, %swap3A_63, %swap3A_64], %swap3A_67 {strides = array<i32>} : memref<1x1x2x18x20x8x128xi32, #tpu.memory_space<vmem>>, vector<1x1x1x18x20x8x128xi32>,
    %slice3A_68 = vector.extract_strided_slice %slice3A {offsets = [0, 0, 0, 128], sizes = [18, 20, 8, 72], strides = [1, 1, 1, 1]} : vector<18x20x8x200xi32> to vector<18x20x8x72xi32>
    %concatenate3A = tpu.concatenate %slice3A_68, %broadcast_in_dim3A_57 in 3 : vector<18x20x8x72xi32>, vector<18x20x8x56xi32> -> vector<18x20x8x128xi32>
    %swap3A_69 = arith.constant 0 : index
    %swap3A_70 = arith.constant 0 : index
    %swap3A_71 = arith.constant 0 : index
    %swap3A_72 = arith.constant 0 : index
    %swap3A_73 = arith.constant 0 : index
    %swap3A_74 = arith.constant 0 : index
    %swap3A_75 = arith.constant 0 : index
    %swap3A_76 = vector.load %arg5[%swap3A_69, %swap3A_70, %swap3A_71, %swap3A_72, %swap3A_73, %swap3A_74, %swap3A_75] : memref<1x1x2x18x20x8x128xi32, #tpu.memory_space<vmem>>, vector<1x1x1x18x20x8x128xi32>
    %swap3A_77 = vector.shape_cast %swap3A_76 : vector<1x1x1x18x20x8x128xi32> to vector<18x20x8x128xi32>
    %swap3A_78 = vector.shape_cast %concatenate3A : vector<18x20x8x128xi32> to vector<1x1x1x18x20x8x128xi32>
    tpu.vector_store %arg5[%swap3A_69, %swap3A_70, %swap3A_71, %swap3A_72, %swap3A_73, %swap3A_74, %swap3A_75], %swap3A_78 {strides = array<i32>} : memref<1x1x2x18x20x8x128xi32, #tpu.memory_space<vmem>>, vector<1x1x1x18x20x8x128xi32>,
    %slice3A_79 = vector.extract_strided_slice %add3A {offsets = [0, 0, 8, 0], sizes = [18, 20, 8, 200], strides = [1, 1, 1, 1]} : vector<18x20x16x200xi32> to vector<18x20x8x200xi32>
    %slice3A_80 = vector.extract_strided_slice %slice3A_79 {offsets = [0, 0, 0, 0], sizes = [18, 20, 8, 128], strides = [1, 1, 1, 1]} : vector<18x20x8x200xi32> to vector<18x20x8x128xi32>
    %swap3A_81 = arith.constant 0 : index
    %swap3A_82 = arith.constant 0 : index
    %swap3A_83 = arith.constant 1 : index
    %swap3A_84 = arith.constant 0 : index
    %swap3A_85 = arith.constant 0 : index
    %swap3A_86 = arith.constant 0 : index
    %swap3A_87 = arith.constant 0 : index
    %swap3A_88 = vector.load %arg4[%swap3A_81, %swap3A_82, %swap3A_83, %swap3A_84, %swap3A_85, %swap3A_86, %swap3A_87] : memref<1x1x2x18x20x8x128xi32, #tpu.memory_space<vmem>>, vector<1x1x1x18x20x8x128xi32>
    %swap3A_89 = vector.shape_cast %swap3A_88 : vector<1x1x1x18x20x8x128xi32> to vector<18x20x8x128xi32>
    %swap3A_90 = vector.shape_cast %slice3A_80 : vector<18x20x8x128xi32> to vector<1x1x1x18x20x8x128xi32>
    tpu.vector_store %arg4[%swap3A_81, %swap3A_82, %swap3A_83, %swap3A_84, %swap3A_85, %swap3A_86, %swap3A_87], %swap3A_90 {strides = array<i32>} : memref<1x1x2x18x20x8x128xi32, #tpu.memory_space<vmem>>, vector<1x1x1x18x20x8x128xi32>,
    %slice3A_91 = vector.extract_strided_slice %slice3A_79 {offsets = [0, 0, 0, 128], sizes = [18, 20, 8, 72], strides = [1, 1, 1, 1]} : vector<18x20x8x200xi32> to vector<18x20x8x72xi32>
    %concatenate3A_92 = tpu.concatenate %slice3A_91, %broadcast_in_dim3A_57 in 3 : vector<18x20x8x72xi32>, vector<18x20x8x56xi32> -> vector<18x20x8x128xi32>
    %swap3A_93 = arith.constant 0 : index
    %swap3A_94 = arith.constant 0 : index
    %swap3A_95 = arith.constant 1 : index
    %swap3A_96 = arith.constant 0 : index
    %swap3A_97 = arith.constant 0 : index
    %swap3A_98 = arith.constant 0 : index
    %swap3A_99 = arith.constant 0 : index
    %swap3A_100 = vector.load %arg5[%swap3A_93, %swap3A_94, %swap3A_95, %swap3A_96, %swap3A_97, %swap3A_98, %swap3A_99] : memref<1x1x2x18x20x8x128xi32, #tpu.memory_space<vmem>>, vector<1x1x1x18x20x8x128xi32>
    %swap3A_101 = vector.shape_cast %swap3A_100 : vector<1x1x1x18x20x8x128xi32> to vector<18x20x8x128xi32>
    %swap3A_102 = vector.shape_cast %concatenate3A_92 : vector<18x20x8x128xi32> to vector<1x1x1x18x20x8x128xi32>
    tpu.vector_store %arg5[%swap3A_93, %swap3A_94, %swap3A_95, %swap3A_96, %swap3A_97, %swap3A_98, %swap3A_99], %swap3A_102 {strides = array<i32>} : memref<1x1x2x18x20x8x128xi32, #tpu.memory_space<vmem>>, vector<1x1x1x18x20x8x128xi32>,
    %broadcast_in_dim3A_103 = arith.constant 4608 : i32
    %broadcast_in_dim3A_104 = vector.broadcast %broadcast_in_dim3A_103 : i32 to vector<20x8x56xi32>
    %slice3A_105 = vector.extract_strided_slice %add3A_55 {offsets = [0, 0, 0], sizes = [20, 8, 200], strides = [1, 1, 1]} : vector<20x16x200xi32> to vector<20x8x200xi32>
    %slice3A_106 = vector.extract_strided_slice %slice3A_105 {offsets = [0, 0, 0], sizes = [20, 8, 128], strides = [1, 1, 1]} : vector<20x8x200xi32> to vector<20x8x128xi32>
    %swap3A_107 = arith.constant 0 : index
    %swap3A_108 = arith.constant 0 : index
    %swap3A_109 = arith.constant 0 : index
    %swap3A_110 = arith.constant 0 : index
    %swap3A_111 = arith.constant 0 : index
    %swap3A_112 = arith.constant 0 : index
    %swap3A_113 = vector.load %arg6[%swap3A_107, %swap3A_108, %swap3A_109, %swap3A_110, %swap3A_111, %swap3A_112] : memref<1x1x2x20x8x128xi32, #tpu.memory_space<vmem>>, vector<1x1x1x20x8x128xi32>
    %swap3A_114 = vector.shape_cast %swap3A_113 : vector<1x1x1x20x8x128xi32> to vector<20x8x128xi32>
    %swap3A_115 = vector.shape_cast %slice3A_106 : vector<20x8x128xi32> to vector<1x1x1x20x8x128xi32>
    tpu.vector_store %arg6[%swap3A_107, %swap3A_108, %swap3A_109, %swap3A_110, %swap3A_111, %swap3A_112], %swap3A_115 {strides = array<i32>} : memref<1x1x2x20x8x128xi32, #tpu.memory_space<vmem>>, vector<1x1x1x20x8x128xi32>,
    %slice3A_116 = vector.extract_strided_slice %slice3A_105 {offsets = [0, 0, 128], sizes = [20, 8, 72], strides = [1, 1, 1]} : vector<20x8x200xi32> to vector<20x8x72xi32>
    %concatenate3A_117 = tpu.concatenate %slice3A_116, %broadcast_in_dim3A_104 in 2 : vector<20x8x72xi32>, vector<20x8x56xi32> -> vector<20x8x128xi32>
    %swap3A_118 = arith.constant 0 : index
    %swap3A_119 = arith.constant 0 : index
    %swap3A_120 = arith.constant 0 : index
    %swap3A_121 = arith.constant 0 : index
    %swap3A_122 = arith.constant 0 : index
    %swap3A_123 = arith.constant 0 : index
    %swap3A_124 = vector.load %arg7[%swap3A_118, %swap3A_119, %swap3A_120, %swap3A_121, %swap3A_122, %swap3A_123] : memref<1x1x2x20x8x128xi32, #tpu.memory_space<vmem>>, vector<1x1x1x20x8x128xi32>
    %swap3A_125 = vector.shape_cast %swap3A_124 : vector<1x1x1x20x8x128xi32> to vector<20x8x128xi32>
    %swap3A_126 = vector.shape_cast %concatenate3A_117 : vector<20x8x128xi32> to vector<1x1x1x20x8x128xi32>
    tpu.vector_store %arg7[%swap3A_118, %swap3A_119, %swap3A_120, %swap3A_121, %swap3A_122, %swap3A_123], %swap3A_126 {strides = array<i32>} : memref<1x1x2x20x8x128xi32, #tpu.memory_space<vmem>>, vector<1x1x1x20x8x128xi32>,
    %slice3A_127 = vector.extract_strided_slice %add3A_55 {offsets = [0, 8, 0], sizes = [20, 8, 200], strides = [1, 1, 1]} : vector<20x16x200xi32> to vector<20x8x200xi32>
    %slice3A_128 = vector.extract_strided_slice %slice3A_127 {offsets = [0, 0, 0], sizes = [20, 8, 128], strides = [1, 1, 1]} : vector<20x8x200xi32> to vector<20x8x128xi32>
    %swap3A_129 = arith.constant 0 : index
    %swap3A_130 = arith.constant 0 : index
    %swap3A_131 = arith.constant 1 : index
    %swap3A_132 = arith.constant 0 : index
    %swap3A_133 = arith.constant 0 : index
    %swap3A_134 = arith.constant 0 : index
    %swap3A_135 = vector.load %arg6[%swap3A_129, %swap3A_130, %swap3A_131, %swap3A_132, %swap3A_133, %swap3A_134] : memref<1x1x2x20x8x128xi32, #tpu.memory_space<vmem>>, vector<1x1x1x20x8x128xi32>
    %swap3A_136 = vector.shape_cast %swap3A_135 : vector<1x1x1x20x8x128xi32> to vector<20x8x128xi32>
    %swap3A_137 = vector.shape_cast %slice3A_128 : vector<20x8x128xi32> to vector<1x1x1x20x8x128xi32>
    tpu.vector_store %arg6[%swap3A_129, %swap3A_130, %swap3A_131, %swap3A_132, %swap3A_133, %swap3A_134], %swap3A_137 {strides = array<i32>} : memref<1x1x2x20x8x128xi32, #tpu.memory_space<vmem>>, vector<1x1x1x20x8x128xi32>,
    %slice3A_138 = vector.extract_strided_slice %slice3A_127 {offsets = [0, 0, 128], sizes = [20, 8, 72], strides = [1, 1, 1]} : vector<20x8x200xi32> to vector<20x8x72xi32>
    %concatenate3A_139 = tpu.concatenate %slice3A_138, %broadcast_in_dim3A_104 in 2 : vector<20x8x72xi32>, vector<20x8x56xi32> -> vector<20x8x128xi32>
    %swap3A_140 = arith.constant 0 : index
    %swap3A_141 = arith.constant 0 : index
    %swap3A_142 = arith.constant 1 : index
    %swap3A_143 = arith.constant 0 : index
    %swap3A_144 = arith.constant 0 : index
    %swap3A_145 = arith.constant 0 : index
    %swap3A_146 = vector.load %arg7[%swap3A_140, %swap3A_141, %swap3A_142, %swap3A_143, %swap3A_144, %swap3A_145] : memref<1x1x2x20x8x128xi32, #tpu.memory_space<vmem>>, vector<1x1x1x20x8x128xi32>
    %swap3A_147 = vector.shape_cast %swap3A_146 : vector<1x1x1x20x8x128xi32> to vector<20x8x128xi32>
    %swap3A_148 = vector.shape_cast %concatenate3A_139 : vector<20x8x128xi32> to vector<1x1x1x20x8x128xi32>
    tpu.vector_store %arg7[%swap3A_140, %swap3A_141, %swap3A_142, %swap3A_143, %swap3A_144, %swap3A_145], %swap3A_148 {strides = array<i32>} : memref<1x1x2x20x8x128xi32, #tpu.memory_space<vmem>>, vector<1x1x1x20x8x128xi32>,
    return
  }
  func.func @transform_0(%arg0: i32, %arg1: i32) -> (i32, i32, i32, i32, i32) {
    %c0_i32 = arith.constant 0 : i32
    %c0_i32_0 = arith.constant 0 : i32
    %c0_i32_1 = arith.constant 0 : i32
    %c0_i32_2 = arith.constant 0 : i32
    return %arg0, %c0_i32, %arg1, %c0_i32_0, %c0_i32_1 : i32, i32, i32, i32, i32
  }
  func.func @transform_1(%arg0: i32, %arg1: i32) -> (i32, i32, i32, i32) {
    %c0_i32 = arith.constant 0 : i32
    %c0_i32_0 = arith.constant 0 : i32
    %c0_i32_1 = arith.constant 0 : i32
    return %arg0, %arg1, %c0_i32, %c0_i32_0 : i32, i32, i32, i32
  }
  func.func @transform_2(%arg0: i32, %arg1: i32) -> (i32, i32, i32, i32, i32, i32, i32) {
    %c0_i32 = arith.constant 0 : i32
    %c0_i32_0 = arith.constant 0 : i32
    %c0_i32_1 = arith.constant 0 : i32
    %c0_i32_2 = arith.constant 0 : i32
    %c0_i32_3 = arith.constant 0 : i32
    %c0_i32_4 = arith.constant 0 : i32
    return %arg0, %arg1, %c0_i32, %c0_i32_0, %c0_i32_1, %c0_i32_2, %c0_i32_3 : i32, i32, i32, i32, i32, i32, i32
  }
  func.func @transform_3(%arg0: i32, %arg1: i32) -> (i32, i32, i32, i32, i32, i32, i32) {
    %c0_i32 = arith.constant 0 : i32
    %c0_i32_0 = arith.constant 0 : i32
    %c0_i32_1 = arith.constant 0 : i32
    %c0_i32_2 = arith.constant 0 : i32
    %c0_i32_3 = arith.constant 0 : i32
    %c0_i32_4 = arith.constant 0 : i32
    return %arg0, %arg1, %c0_i32, %c0_i32_0, %c0_i32_1, %c0_i32_2, %c0_i32_3 : i32, i32, i32, i32, i32, i32, i32
  }
  func.func @transform_4(%arg0: i32, %arg1: i32) -> (i32, i32, i32, i32, i32, i32) {
    %c0_i32 = arith.constant 0 : i32
    %c0_i32_0 = arith.constant 0 : i32
    %c0_i32_1 = arith.constant 0 : i32
    %c0_i32_2 = arith.constant 0 : i32
    %c0_i32_3 = arith.constant 0 : i32
    return %arg0, %arg1, %c0_i32, %c0_i32_0, %c0_i32_1, %c0_i32_2 : i32, i32, i32, i32, i32, i32
  }
  func.func @transform_5(%arg0: i32, %arg1: i32) -> (i32, i32, i32, i32, i32, i32) {
    %c0_i32 = arith.constant 0 : i32
    %c0_i32_0 = arith.constant 0 : i32
    %c0_i32_1 = arith.constant 0 : i32
    %c0_i32_2 = arith.constant 0 : i32
    %c0_i32_3 = arith.constant 0 : i32
    return %arg0, %arg1, %c0_i32, %c0_i32_0, %c0_i32_1, %c0_i32_2 : i32, i32, i32, i32, i32, i32
  }
}

</mosaic_0001>

<sc_bundles>
// kernel: kernel.5.cloned.1.call-start
scs
__scs_entry_jumppad:
0x0: {  	(pc) =	sbr.rel $0x88, $3  }
0x1: {  	(tag) =	ssettag $0x0;
	lr =	simm.s32 $0x1  }
0x2: {  	[smem:$0x3F9F] =	sst lr;
	_ =	strace $0xD0000000  }
0x3: {  	_ = 	snop  }
0x4: {  	_ = 	snop  }
0x5: {  	_ = 	snop  }
0x6: {  	_ = 	snop  }
0x7: {  	_ = 	snop  }
__scs_overlays_trampoline_lowered:
0x8: {  	[smem:$0x3FAE] =	sst s0  }
0x9: {  	[smem:$0x3FAF] =	sst s1  }
0xa: {  	[smem:$0x3FB0] =	sst s2  }
0xb: {  	[smem:$0x3FB1] =	sst s3  }
0xc: {  	[smem:$0x3FB2] =	sst s4  }
0xd: {  	[smem:$0x3FB3] =	sst s5  }
0xe: {  	[smem:$0x3FB4] =	sst s6  }
0xf: {  	[smem:$0x3FB5] =	sst s7  }
0x10: {  	[smem:$0x3FB6] =	sst s8  }
0x11: {  	[smem:$0x3FB7] =	sst s9;
	s0 =	simm.s32 @!p0 $0x0  }
0x12: {  	s1 =	sld [smem:$0x3F9D];
	s0 =	simm.s32 @p0 $0x1  }
0x13: {  	[smem:$0x3FB8] =	sst s0;
	s0 =	simm.s32 @!p1 $0x0  }
0x14: {  	s2 =	sld [smem:$0x3F9C];
	s0 =	simm.s32 @p1 $0x1  }
0x15: {  	[smem:$0x3FB9] =	sst s0;
	s0 =	simm.s32 @!p2 $0x0  }
0x16: {  	s3 =	sld [smem:$0x3FDB];
	s0 =	simm.s32 @p2 $0x1  }
0x17: {  	s4 =	simm.s32 $0x1BF5;
	[smem:$0x3FBB] =	sst s0  }
0x18: {  	s0 =	sld [smem:$0x3F9E];
	_ =	swait.ge [sflag:s4], $0x0  }
0x19: {  	s7 =	sld [smem:$0x3F9F]  }
0x1a: {  	s8 =	sadd.s32 $0xFFFFE003, lr  }
0x1b: {  	s9 =	sadd.s32 $0xFFFFFEF7, lr;
	s5 =	simm.s32 $0xFFFFFFFF;
	p2 =	slt.u32 s8, $0xFFFFF086  }
0x1c: {  	p1 =	slt.u32 s9, $0xF7A;
	s5 =	simm.s32 @!p2 $0x0  }
0x1d: {  	s5 =	simm.s32 @p1 $0x1;
	p0 =	seq.s32 s7, s2  }
0x1e: {  	s7 =	smul.u32 @!p0 $0xF7A, s2;
	p2 =	seq.s32 @!p0 s5, $0x0  }
0x1f: {  	s9 =	smul.u32 $0xF7A, s1;
	s8 =	simm.s32 @!p0 $0x1BF5;
	p2 =	por !p2, p0  }
0x20: {  	[sflag:s8] =	ssyncset.s32 @!p0 $0xFFFFF086;
	s6 =	sadd.s32 @!p0 s3, s7;
	s7 =	simm.s32 @!p0 $0x108  }
0x21: {  	s3 =	sadd.s32 s3, s9;
	s6 =	sadd.s32 @!p0 $0x88, s6;
	s7 =	simm.s32 @p2 $0x1082  }
0x22: {  	[simem:s7], [sflag:s8] =	dma.local @!p0 [hbm:s6], $0xF7A  }
0x23: {  	s9 =	sor.u32 $0xD0000000, s2;
	s6 =	simm.s32 $0x108;
	_ =	swait.ge @!p0 [sflag:s8], $0x0  }
0x24: {  	s3 =	sadd.s32 $0x88, s3;
	s6 =	simm.s32 @!p1 $0x1082;
	[sflag:s4] =	ssyncset.s32 $0xFFFFF086  }
0x25: {  	[simem:s6], [sflag:s4] =	dma.local [hbm:s3], $0xF7A  }
0x26: {  	[smem:$0x3F9F] =	sst s1;
	(tag) =	ssettag s2;
	_ =	strace s9  }
0x27: {  	s1 =	sld [smem:$0x3FAF]  }
0x28: {  	s2 =	sld [smem:$0x3FB0]  }
0x29: {  	s4 =	sld [smem:$0x3FB2]  }
0x2a: {  	p0 =	seq.s32 s5, $0x0;
	s5 =	sld [smem:$0x3FB3]  }
0x2b: {  	s6 =	sld [smem:$0x3FB4]  }
0x2c: {  	s7 =	sld [smem:$0x3FB5]  }
0x2d: {  	s3 =	simm.s32 $0x108;
	s8 =	sld [smem:$0x3FB6]  }
0x2e: {  	s3 =	simm.s32 @!p0 $0x1082;
	s9 =	sld [smem:$0x3FB7]  }
0x2f: {  	lr =	sadd.s32 s0, s3;
	s0 =	sld [smem:$0x3FAE]  }
0x30: {  	s3 =	sld [smem:$0x3FB1]  }
0x31: {  	[smem:$0x3FBA] =	sst s10  }
0x32: {  	s10 =	sld [smem:$0x3FB8];
	_ =	sdelay $0x3  }
0x33: {  	p0 =	seq.s32 s10, $0x1;
	s10 =	sld [smem:$0x3FBA];
	_ =	sdelay $0x3  }
0x34: {  	[smem:$0x3FBA] =	sst s10  }
0x35: {  	s10 =	sld [smem:$0x3FB9];
	_ =	sdelay $0x3  }
0x36: {  	p1 =	seq.s32 s10, $0x1;
	s10 =	sld [smem:$0x3FBA];
	_ =	sdelay $0x3  }
0x37: {  	[smem:$0x3FBA] =	sst s10  }
0x38: {  	s10 =	sld [smem:$0x3FBB]  }
0x39: {  	_ = 	snop;
	(pc) =	sbr.ind lr, $3  }
0x3a: {  	_ = 	snop  }
0x3b: {  	_ = 	snop  }
0x3c: {  	p2 =	seq.s32 s10, $0x1;
	s10 =	sld [smem:$0x3FBA]  }
0x3d: {  	_ =	shalt  }
0x3e: {  	_ =	shalt  }
0x3f: {  	_ =	shalt  }
0x40: {  	_ =	shalt  }
0x41: {  	_ =	shalt  }
0x42: {  	_ =	shalt  }
0x43: {  	_ =	shalt  }
0x44: {  	_ =	shalt  }
0x45: {  	_ =	shalt  }
0x46: {  	_ =	shalt  }
0x47: {  	_ =	shalt  }
0x48: {  	_ =	shalt  }
0x49: {  	_ =	shalt  }
0x4a: {  	_ =	shalt  }
0x4b: {  	_ =	shalt  }
0x4c: {  	_ =	shalt  }
0x4d: {  	_ =	shalt  }
0x4e: {  	_ =	shalt  }
0x4f: {  	_ =	shalt  }
0x50: {  	_ =	shalt  }
0x51: {  	_ =	shalt  }
0x52: {  	_ =	shalt  }
0x53: {  	_ =	shalt  }
0x54: {  	_ =	shalt  }
0x55: {  	_ =	shalt  }
0x56: {  	_ =	shalt  }
0x57: {  	_ =	shalt  }
0x58: {  	_ =	shalt  }
0x59: {  	_ =	shalt  }
0x5a: {  	_ =	shalt  }
0x5b: {  	_ =	shalt  }
0x5c: {  	_ =	shalt  }
0x5d: {  	_ =	shalt  }
0x5e: {  	_ =	shalt  }
0x5f: {  	_ =	shalt  }
0x60: {  	_ =	shalt  }
0x61: {  	_ =	shalt  }
0x62: {  	_ =	shalt  }
0x63: {  	_ =	shalt  }
0x64: {  	_ =	shalt  }
0x65: {  	_ =	shalt  }
0x66: {  	_ =	shalt  }
0x67: {  	_ =	shalt  }
0x68: {  	_ =	shalt  }
0x69: {  	_ =	shalt  }
0x6a: {  	_ =	shalt  }
0x6b: {  	_ =	shalt  }
0x6c: {  	_ =	shalt  }
0x6d: {  	_ =	shalt  }
0x6e: {  	_ =	shalt  }
0x6f: {  	_ =	shalt  }
0x70: {  	_ =	shalt  }
0x71: {  	_ =	shalt  }
0x72: {  	_ =	shalt  }
0x73: {  	_ =	shalt  }
0x74: {  	_ =	shalt  }
0x75: {  	_ =	shalt  }
0x76: {  	_ =	shalt  }
0x77: {  	_ =	shalt  }
0x78: {  	_ =	shalt  }
0x79: {  	_ =	shalt  }
0x7a: {  	_ =	shalt  }
0x7b: {  	_ =	shalt  }
0x7c: {  	_ =	shalt  }
0x7d: {  	_ =	shalt  }
0x7e: {  	_ =	shalt  }
0x7f: {  	_ =	shalt  }
0x80: {  	_ =	shalt  }
0x81: {  	_ =	shalt  }
0x82: {  	_ =	shalt  }
0x83: {  	_ =	shalt  }
0x84: {  	_ =	shalt  }
0x85: {  	_ =	shalt  }
0x86: {  	_ =	shalt  }
0x87: {  	_ =	shalt  }
.Lfunc_end0:
.L_simem_size_0:
called_computation_lowered:
.L_overlay_start_0:
0x88: {  	s2 =	sld [smem:$0x3FD9]  }
0x89: {  	s3 =	sld [smem:$0x3FFE];
	_ =	sdelay $0x1  }
0x8a: {  	s1 =	srdreg.scid  }
0x8b: {  	s0 =	sand.u32 $0x1, s1  }
0x8c: {  	s16 =	sshll.u32 s0, $0xA;
	s2 =	sadd.s32 s3, s2  }
0x8d: {  	s2 =	sadd.s32 s2, s16  }
0x8e: {  	[smem:$0x3FC6] =	sst s2  }
0x8f: {  	_ = 	snop  }
0x90: {  	(tm) =	ssettm $0x1  }
0x91: {  	s17 =	sld [smem:$0x3FFB];
	_ =	sdelay $0x3  }
0x92: {  	_ =	strace s17  }
0x93: {  	s2 =	sld [smem:$0x3FFC];
	_ =	sdelay $0x3  }
0x94: {  	_ =	strace s2  }
0x95: {  	s2 =	sld [smem:$0x3FFD];
	_ =	sdelay $0x3  }
0x96: {  	_ =	strace s2  }
0x97: {  	_ =	strace $0x8FFFFFFF  }
0x98: {  	s18 =	sld [smem:$0x3FDB];
	_ =	sdelay $0x1  }
0x99: {  	s19 =	simm.s32 $_scs_section_size  }
0x9a: {  	s4 =	simm.s32 $_size__tile_overlayer_lowered;
	s5 =	simm.s32 $_tile_overlayer_lowered  }
0x9b: {  	s22 =	simm.s32 $0x1BFF;
	s21 =	sshll.u32 s5, $0x1;
	s2 =	sadd.s32 s19, s18  }
0x9c: {  	s6 =	simm.s32 $0x0;
	s20 =	sshll.u32 s4, $0x1;
	s4 =	sadd.s32 s21, s2  }
0x9d: {  	[timem:s6], [sflag:s22] =	dma.local [hbm:s4], s20  }
0x9e: {  	_ =	swait.ge [sflag:s22], s20  }
0x9f: {  	s3 =	ssub.s32 $0x0, s20;
	[sflag:s22] =	ssyncset.done $0x0  }
0xa0: {  	[sflag:s22] =	ssyncadd.s32 s3;
	_ =	sdelay $0x1  }
0xa1: {  	s23 =	simm.s32 $0x1B8B  }
0xa2: {  	_ =	swait.ge [sflag:s23], $0x1  }
0xa3: {  	[sflag:s23] =	ssyncset.done $0x0  }
0xa4: {  	s25 =	simm.s32 $0x1B8E;
	s24 =	sld [smem:$0x3FFE];
	[sflag:s23] =	ssyncadd.s32 $0xFFFFFFFF  }
0xa5: {  	s26 =	simm.s32 $execute0_lowered;
	[smem:$0x3FD2] =	sst s25  }
0xa6: {  	s4 =	sshll.u32 s26, $0x1;
	_ =	strace $0x80000046;
	[dreg:$0x1] =	wrdreg $0xFFFFFFFF  }
0xa7: {  	s28 =	simm.s32 $_size_execute0_lowered;
	s2 =	sadd.s32 s2, s4;
	[dreg:$0x0] =	wrdreg $0x0  }
0xa8: {  	s4 =	sshll.u32 s28, $0x1;
	[dreg:$0x2] =	wrdreg s2  }
0xa9: {  	[dreg:$0x3] =	wrdreg s4  }
0xaa: {  	[dreg:$0x4] =	wrdreg $0xC0  }
0xab: {  	_ =	task [dreg:s6], $0x5FFFF  }
0xac: {  	[dreg:$0x1] =	wrdreg $0xFFFFFFFF  }
0xad: {  	[dreg:$0x0] =	wrdreg $0x60  }
0xae: {  	[dreg:$0x2] =	wrdreg s24  }
0xaf: {  	[dreg:$0x3] =	wrdreg $0x9  }
0xb0: {  	_ =	task.clear_ibuf [dreg:s6], $0x4FFFF;
	_ =	strace $0x90000046  }
0xb1: {  	s29 =	simm.s32 $0x9;
	_ =	strace $0x80000048  }
0xb2: {  	_ =	swait.ge [sflag:s29], $0x1  }
0xb3: {  	[sflag:s29] =	ssyncadd.s32 $0xFFFFFFFF  }
0xb4: {  	_ =	strace $0x90000048  }
0xb5: {  	_ =	sfence  }
0xb6: {  	s30 =	sld [smem:$0x0];
	_ =	sdelay $0x2  }
0xb7: {  	s31 =	sshll.u32 s1, $0xD;
	s1 =	sshrl.u32 s1, $0x2  }
0xb8: {  	s3 =	sand.u32 $0x4000, s31;
	s1 =	sadd.s32 s1, s30  }
0xb9: {  	s0 =	sor.u32 s3, s0;
	s1 =	sshll.u32 s1, $0x11  }
0xba: {  	s0 =	sor.u32 s1, s0  }
0xbb: {  	s0 =	sadd.s32 $0x8F2B, s0  }
0xbc: {  	[sflag:s0] =	ssyncadd.remote.s32 $0x1  }
0xbd: {  	_ =	sfence.sel $0xFFFF  }
0xbe: {  	[dreg:$0x0] =	wrdreg $0xFFFFFFFF;
	(pc) =	sbr.abs _section_cstart, $3  }
0xbf: {  	[dreg:$0x1] =	wrdreg $0xFFFFFFFF  }
0xc0: {  	_ =	task.clear_ibuf [dreg:s6], $0x2FFFF;
	_ =	strace $0x9FFFFFFF  }
0xc1: {  	(tm) =	ssettm $0x7FFFFFFF  }
tec
execute0_lowered:
.L_overlay_start_1:
0x0: {  	(tag) =	ssettag $0x1  }
0x1: {  	s0 =	rddreg [dreg:$0x0];
	s2 =	simm.s32 $0x0  }
0x2: {  	s3 =	srdreg.scid;
	s1 =	stileid.u32;
	s18 =	simm.s32 $0x2580  }
0x3: {  	s19 =	simm.s32 $0x1;
	s20 =	simm.s32 $0x4B00;
	s21 =	simm.s32 $0x2  }
0x4: {  	s22 =	simm.s32 $0x80;
	s23 =	simm.s32 $0x400;
	s24 =	simm.s32 $0x3  }
0x5: {  	s25 =	simm.s32 $0x0;
	[smem:$0x7FF] =	sst s2;
	s7 =	sand.u32 $0x1, s3  }
0x6: {  	s4 =	sshll.u32 s1, $0x1;
	s3 =	sadd.s32 $0x1C2C00, s0;
	s5 =	sshrl.u32 s1, $0x2  }
0x7: {  	s6 =	sadd.s32 $0x39DC00, s0;
	_ =	strace $0x80000047;
	s8 =	sor.u32 s7, s4  }
0x8: {  	s4 =	sadd.s32 $0x384C00, s0;
	s9 =	smul.u32 $0x94000, s5;
	s5 =	sadd.s32 $0xC00, s0  }
0x9: {  	s7 =	ssub.s32 $0x2, s7;
	s10 =	sshll.u32 s8, $0x7;
	s30 =	smul.u32 $0x70800, s8  }
0xa: {  	s11 =	sshrl.u32 s7, $0x1;
	s12 =	smul.u32 $0x6400, s8;
	s10 =	sand.u32 $0x380, s10  }
0xb: {  	s17 =	ssub.s32 s7, s11;
	s9 =	sor.u32 s9, s10;
	s31 =	sshrl.u32 s30, $0x3  }
0xc: {  	s8 =	sadd.s32 $0x2580, s30;
	s14 =	sshrl.u32 s12, $0x3;
	s12 =	sadd.s32 $0x1900, s12  }
0xd: {  	s17 =	smax.u32 s17, $0x1;
	s9 =	sshrl.u32 s9, $0x3;
	s7 =	sadd.s32 s5, s31  }
0xe: {  	s10 =	sadd.s32 s3, s31;
	s15 =	sadd.s32 $0x640, s14;
	s11 =	sadd.s32 s4, s14  }
0xf: {  	v1 =	vlaneseq.u32;
	s14 =	sadd.s32 s6, s14;
	s0 =	sadd.s32 s9, s0;
	s9 =	sadd.s32 $0x4B00, s30  }
0x10: {  	v0 =	vimm.f32 $0.0e+00;
	v2 =	vimm.f32 $1.000000000e+00;
	v1 =	vmul.u32 $0x1280, v1;
	s13 =	sadd.s32 s4, s15;
	s15 =	sadd.s32 s6, s15;
	s16 =	sadd.s32 $0x3B6C00, s0  }
.LBB2_1:
0x11: {  	s0 =	simm.s32 $0x0;
	s26 =	simm.s32 $0x400  }
.LBB2_2:
0x12: {  	p0 =	sne.s32 s26, $0x49C00;
	[tilespmem:s0+$0x4BF0] =	vst v0  }
0x13: {  	[tilespmem:s0+$0x4B00] =	vst v0  }
0x14: {  	[tilespmem:s0+$0x4B10] =	vst v0  }
0x15: {  	[tilespmem:s0+$0x4B20] =	vst v0  }
0x16: {  	[tilespmem:s0+$0x4B30] =	vst v0  }
0x17: {  	[tilespmem:s0+$0x4B40] =	vst v0  }
0x18: {  	[tilespmem:s0+$0x4B50] =	vst v0  }
0x19: {  	[tilespmem:s0+$0x4B60] =	vst v0  }
0x1a: {  	[tilespmem:s0+$0x4B70] =	vst v0  }
0x1b: {  	[tilespmem:s0+$0x4B80] =	vst v0  }
0x1c: {  	[tilespmem:s0+$0x4B90] =	vst v0  }
.Ltmp0:
0x1d: {  	[tilespmem:s0+$0x4BA0] =	vst v0;
	(pc) =	sbr.rel @p0 .LBB2_2-.Ltmp0, $4  }
0x1e: {  	[tilespmem:s0+$0x4BB0] =	vst v0  }
0x1f: {  	[tilespmem:s0+$0x4BC0] =	vst v0  }
0x20: {  	[tilespmem:s0+$0x4BD0] =	vst v0  }
0x21: {  	[tilespmem:s0+$0x4BE0] =	vst v0;
	s0 =	sshra.s32 s26, $0x2;
	s26 =	sadd.s32 $0x400, s26  }
0x22: {  	[tilespmem:s0+$0x4BF0] =	vst v0  }
0x23: {  	[tilespmem:s0+$0x4B00] =	vst v0  }
0x24: {  	[tilespmem:s0+$0x4B10] =	vst v0  }
0x25: {  	[tilespmem:s0+$0x4B20] =	vst v0  }
0x26: {  	[tilespmem:s0+$0x4B30] =	vst v0  }
0x27: {  	[tilespmem:s0+$0x4B40] =	vst v0  }
0x28: {  	[tilespmem:s0+$0x4B50] =	vst v0  }
0x29: {  	[tilespmem:s0+$0x4B60] =	vst v0  }
0x2a: {  	[tilespmem:s0+$0x4B70] =	vst v0  }
0x2b: {  	[tilespmem:s0+$0x4B80] =	vst v0  }
0x2c: {  	[tilespmem:s0+$0x4B90] =	vst v0  }
0x2d: {  	[tilespmem:s0+$0x4BA0] =	vst v0  }
0x2e: {  	[tilespmem:s0+$0x4BB0] =	vst v0  }
0x2f: {  	[tilespmem:s0+$0x4BC0] =	vst v0  }
0x30: {  	[tilespmem:s0+$0x4BD0] =	vst v0  }
0x31: {  	[tilespmem:s0+$0x4BE0] =	vst v0;
	s26 =	simm.s32 $0x0  }
0x32: {  	[tilespmem:s26], [sflag:$0x1] =	stream.linear.gather [hbm4b:s7+s26], $0x2580, $0x38;
	[tilespmem:$0x17300] =	vst v63  }
.LBB2_4:
0x33: {  	s28 =	smul.u32 $0x4B00, s26;
	_ =	sdelay $0x1  }
0x34: {  	s0 =	sadd.s32 s28, s8  }
0x35: {  	s0 =	sshrl.u32 s0, $0x3  }
0x36: {  	s0 =	sadd.s32 s5, s0  }
0x37: {  	[tilespmem:s18], [sflag:$0x2] =	stream.linear.gather [hbm4b:s0+s2], $0x2580, $0x38;
	[tilespmem:$0x17300] =	vst v63  }
0x38: {  	_ =	swait.ge [sflag:s19], $0x2580  }
0x39: {  	[sflag:s19] =	ssyncset.done $0x0  }
0x3a: {  	s29 =	simm.s32 $0x80;
	[sflag:s19] =	ssyncadd.s32 $0xFFFFDA80  }
0x3b: {  	v3 =	vld [tilespmem:s29+$0x10]  }
0x3c: {  	v4 =	vld [tilespmem:s29+$0x0]  }
0x3d: {  	v5 =	vld [tilespmem:s29+$0xFFFFFF80]  }
0x3e: {  	v6 =	vld [tilespmem:s29+$0x70]  }
0x3f: {  	v7 =	vld [tilespmem:s29+$0xFFFFFFA0]  }
0x40: {  	v8 =	vld [tilespmem:s29+$0xFFFFFFB0]  }
0x41: {  	v9 =	vld [tilespmem:s29+$0xFFFFFFC0]  }
0x42: {  	v11 =	vld [tilespmem:s29+$0x50]  }
0x43: {  	v12 =	vld [tilespmem:s29+$0x40];
	v5 =	vadd.s32 v1, v5  }
0x44: {  	v10 =	vld [tilespmem:s29+$0x60];
	v6 =	vadd.s32 v1, v6  }
0x45: {  	v13 =	vld [tilespmem:s29+$0x30]  }
0x46: {  	v14 =	vld [tilespmem:s29+$0x20]  }
0x47: {  	v15 =	vld [tilespmem:s29+$0xFFFFFFD0];
	v59 =	vadd.s32 v1, v11  }
0x48: {  	v60 =	vadd.s32 v1, v12;
	[tilespmem:v5+s20+$0x0] =	vst.idx.add.f32.msk $0xffff, v2  }
0x49: {  	v5 =	vadd.s32 v1, v10;
	[tilespmem:v6+s20+$0x0] =	vst.idx.add.f32.msk $0xffff, v2  }
0x4a: {  	v6 =	vld [tilespmem:s29+$0xFFFFFFF0]  }
0x4b: {  	v61 =	vld [tilespmem:s29+$0xFFFFFFE0];
	v3 =	vadd.s32 v1, v3  }
0x4c: {  	v14 =	vadd.s32 v1, v14;
	[tilespmem:v59+s20+$0x0] =	vst.idx.add.f32.msk $0xffff, v2  }
0x4d: {  	v4 =	vadd.s32 v1, v4;
	[tilespmem:v60+s20+$0x0] =	vst.idx.add.f32.msk $0xffff, v2  }
0x4e: {  	v62 =	vadd.s32 v1, v13;
	[tilespmem:v5+s20+$0x0] =	vst.idx.add.f32.msk $0xffff, v2  }
0x4f: {  	v63 =	vadd.s32 v1, v15;
	v5 =	vadd.s32 v1, v6;
	v6 =	vld [tilespmem:s29+$0xFFFFFF90]  }
0x50: {  	[tilespmem:v3+s20+$0x0] =	vst.idx.add.f32.msk $0xffff, v2;
	v3 =	vadd.s32 v1, v8  }
0x51: {  	v9 =	vadd.s32 v1, v9;
	[tilespmem:v14+s20+$0x0] =	vst.idx.add.f32.msk $0xffff, v2  }
0x52: {  	v7 =	vadd.s32 v1, v7;
	[tilespmem:v4+s20+$0x0] =	vst.idx.add.f32.msk $0xffff, v2  }
0x53: {  	[tilespmem:v62+s20+$0x0] =	vst.idx.add.f32.msk $0xffff, v2  }
0x54: {  	[tilespmem:v63+s20+$0x0] =	vst.idx.add.f32.msk $0xffff, v2;
	v4 =	vadd.s32 v1, v6  }
0x55: {  	[tilespmem:v3+s20+$0x0] =	vst.idx.add.f32.msk $0xffff, v2;
	v3 =	vadd.s32 v1, v61  }
0x56: {  	[tilespmem:v9+s20+$0x0] =	vst.idx.add.f32.msk $0xffff, v2  }
0x57: {  	[tilespmem:v7+s20+$0x0] =	vst.idx.add.f32.msk $0xffff, v2  }
0x58: {  	s30 =	simm.s32 $0x0;
	[tilespmem:v5+s20+$0x0] =	vst.idx.add.f32.msk $0xffff, v2  }
.LBB2_5:
0x59: {  	s30 =	sadd.s32 $0x10, s30;
	[tilespmem:v4+s20+$0x0] =	vst.idx.add.f32.msk $0xffff, v2;
	s29 =	sadd.s32 $0x100, s29  }
0x5a: {  	p0 =	slt.u32 s30, $0x240;
	[tilespmem:v3+s20+$0x0] =	vst.idx.add.f32.msk $0xffff, v2  }
0x5b: {  	v3 =	vld [tilespmem:s29+$0x10]  }
0x5c: {  	v4 =	vld [tilespmem:s29+$0x0]  }
0x5d: {  	v5 =	vld [tilespmem:s29+$0xFFFFFF80]  }
0x5e: {  	v6 =	vld [tilespmem:s29+$0x70]  }
0x5f: {  	v7 =	vld [tilespmem:s29+$0xFFFFFFA0]  }
0x60: {  	v8 =	vld [tilespmem:s29+$0xFFFFFFB0]  }
0x61: {  	v9 =	vld [tilespmem:s29+$0xFFFFFFC0]  }
0x62: {  	v5 =	vadd.s32 v1, v5;
	v10 =	vld [tilespmem:s29+$0x60]  }
0x63: {  	v11 =	vld [tilespmem:s29+$0x50];
	v6 =	vadd.s32 v1, v6  }
0x64: {  	v12 =	vld [tilespmem:s29+$0x40]  }
0x65: {  	v13 =	vld [tilespmem:s29+$0x30]  }
0x66: {  	v14 =	vld [tilespmem:s29+$0x20]  }
0x67: {  	[tilespmem:v5+s20+$0x0] =	vst.idx.add.f32.msk $0xffff, v2;
	v5 =	vadd.s32 v1, v10  }
0x68: {  	v10 =	vadd.s32 v1, v11;
	[tilespmem:v6+s20+$0x0] =	vst.idx.add.f32.msk $0xffff, v2  }
0x69: {  	v6 =	vld [tilespmem:s29+$0xFFFFFFF0];
	v11 =	vadd.s32 v1, v12  }
0x6a: {  	v12 =	vld [tilespmem:s29+$0xFFFFFFE0]  }
0x6b: {  	v15 =	vld [tilespmem:s29+$0xFFFFFFD0];
	v14 =	vadd.s32 v1, v14  }
0x6c: {  	v16 =	vadd.s32 v1, v3;
	[tilespmem:v5+s20+$0x0] =	vst.idx.add.f32.msk $0xffff, v2  }
0x6d: {  	v4 =	vadd.s32 v1, v4;
	[tilespmem:v10+s20+$0x0] =	vst.idx.add.f32.msk $0xffff, v2  }
0x6e: {  	v5 =	vadd.s32 v1, v6;
	[tilespmem:v11+s20+$0x0] =	vst.idx.add.f32.msk $0xffff, v2  }
0x6f: {  	v10 =	vadd.s32 v1, v13;
	v6 =	vld [tilespmem:s29+$0xFFFFFF90];
	v3 =	vadd.s32 v1, v12  }
0x70: {  	v11 =	vadd.s32 v1, v15;
	[tilespmem:v14+s20+$0x0] =	vst.idx.add.f32.msk $0xffff, v2  }
0x71: {  	v9 =	vadd.s32 v1, v9;
	[tilespmem:v16+s20+$0x0] =	vst.idx.add.f32.msk $0xffff, v2  }
0x72: {  	v8 =	vadd.s32 v1, v8;
	[tilespmem:v4+s20+$0x0] =	vst.idx.add.f32.msk $0xffff, v2  }
0x73: {  	v7 =	vadd.s32 v1, v7;
	[tilespmem:v5+s20+$0x0] =	vst.idx.add.f32.msk $0xffff, v2  }
.Ltmp1:
0x74: {  	v4 =	vadd.s32 v1, v6;
	[tilespmem:v10+s20+$0x0] =	vst.idx.add.f32.msk $0xffff, v2;
	(pc) =	sbr.rel @p0 .LBB2_5-.Ltmp1, $4  }
0x75: {  	[tilespmem:v11+s20+$0x0] =	vst.idx.add.f32.msk $0xffff, v2  }
0x76: {  	[tilespmem:v9+s20+$0x0] =	vst.idx.add.f32.msk $0xffff, v2  }
0x77: {  	[tilespmem:v8+s20+$0x0] =	vst.idx.add.f32.msk $0xffff, v2  }
0x78: {  	[tilespmem:v7+s20+$0x0] =	vst.idx.add.f32.msk $0xffff, v2  }
0x79: {  	_ =	sdelay $0x3  }
0x7a: {  	[tilespmem:v4+s20+$0x0] =	vst.idx.add.f32.msk $0xffff, v2  }
0x7b: {  	s0 =	simm.s32 $0x0;
	[tilespmem:v3+s20+$0x0] =	vst.idx.add.f32.msk $0xffff, v2  }
.LBB2_7:
0x7c: {  	s29 =	sshra.s32 s0, $0x2  }
0x7d: {  	v3 =	vld [tilespmem:s29+$0x2500];
	_ =	sdelay $0x4  }
0x7e: {  	p0 =	sne.s32 s0, $0x1C0;
	v3 =	vadd.s32 v1, v3  }
.Ltmp2:
0x7f: {  	_ = 	snop;
	(pc) =	sbr.rel @p0 .LBB2_7-.Ltmp2, $2  }
0x80: {  	_ =	sdelay $0x2  }
0x81: {  	s0 =	sadd.s32 $0x40, s0;
	[tilespmem:v3+s20+$0x0] =	vst.idx.add.f32.msk $0xffff, v2  }
0x82: {  	p0 =	seq.s32 s26, $0x17  }
0x83: {  	s0 =	sadd.s32 @!p0 s28, s9  }
0x84: {  	s0 =	sshrl.u32 @!p0 s0, $0x3  }
0x85: {  	s28 =	simm.s32 @!p0 $0x0;
	s0 =	sadd.s32 @!p0 s5, s0  }
0x86: {  	[tilespmem:s28], [sflag:$0x1] =	stream.linear.gather @!p0 [hbm4b:s0+s28], $0x2580, $0x38;
	[tilespmem:$0x17300] =	vst v63  }
0x87: {  	_ =	swait.ge [sflag:s21], $0x2580  }
0x88: {  	[sflag:s21] =	ssyncset.done $0x0  }
0x89: {  	s28 =	simm.s32 $0x2600;
	[sflag:s21] =	ssyncadd.s32 $0xFFFFDA80  }
0x8a: {  	v3 =	vld [tilespmem:s28+$0x10]  }
0x8b: {  	v4 =	vld [tilespmem:s28+$0x0]  }
0x8c: {  	v5 =	vld [tilespmem:s28+$0xFFFFFF80]  }
0x8d: {  	v6 =	vld [tilespmem:s28+$0x70]  }
0x8e: {  	v7 =	vld [tilespmem:s28+$0xFFFFFFA0]  }
0x8f: {  	v8 =	vld [tilespmem:s28+$0xFFFFFFB0]  }
0x90: {  	v9 =	vld [tilespmem:s28+$0xFFFFFFC0]  }
0x91: {  	v11 =	vld [tilespmem:s28+$0x50]  }
0x92: {  	v12 =	vld [tilespmem:s28+$0x40];
	v5 =	vadd.s32 v1, v5  }
0x93: {  	v10 =	vld [tilespmem:s28+$0x60];
	v6 =	vadd.s32 v1, v6  }
0x94: {  	v13 =	vld [tilespmem:s28+$0x30]  }
0x95: {  	v14 =	vld [tilespmem:s28+$0x20]  }
0x96: {  	v15 =	vld [tilespmem:s28+$0xFFFFFFD0];
	v59 =	vadd.s32 v1, v11  }
0x97: {  	v60 =	vadd.s32 v1, v12;
	[tilespmem:v5+s20+$0x0] =	vst.idx.add.f32.msk $0xffff, v2  }
0x98: {  	v5 =	vadd.s32 v1, v10;
	[tilespmem:v6+s20+$0x0] =	vst.idx.add.f32.msk $0xffff, v2  }
0x99: {  	v6 =	vld [tilespmem:s28+$0xFFFFFFF0]  }
0x9a: {  	v61 =	vld [tilespmem:s28+$0xFFFFFFE0];
	v3 =	vadd.s32 v1, v3  }
0x9b: {  	v14 =	vadd.s32 v1, v14;
	[tilespmem:v59+s20+$0x0] =	vst.idx.add.f32.msk $0xffff, v2  }
0x9c: {  	v4 =	vadd.s32 v1, v4;
	[tilespmem:v60+s20+$0x0] =	vst.idx.add.f32.msk $0xffff, v2  }
0x9d: {  	v62 =	vadd.s32 v1, v13;
	[tilespmem:v5+s20+$0x0] =	vst.idx.add.f32.msk $0xffff, v2  }
0x9e: {  	v63 =	vadd.s32 v1, v15;
	v5 =	vadd.s32 v1, v6;
	v6 =	vld [tilespmem:s28+$0xFFFFFF90]  }
0x9f: {  	[tilespmem:v3+s20+$0x0] =	vst.idx.add.f32.msk $0xffff, v2;
	v3 =	vadd.s32 v1, v8  }
0xa0: {  	v9 =	vadd.s32 v1, v9;
	[tilespmem:v14+s20+$0x0] =	vst.idx.add.f32.msk $0xffff, v2  }
0xa1: {  	v7 =	vadd.s32 v1, v7;
	[tilespmem:v4+s20+$0x0] =	vst.idx.add.f32.msk $0xffff, v2  }
0xa2: {  	[tilespmem:v62+s20+$0x0] =	vst.idx.add.f32.msk $0xffff, v2  }
0xa3: {  	[tilespmem:v63+s20+$0x0] =	vst.idx.add.f32.msk $0xffff, v2;
	v4 =	vadd.s32 v1, v6  }
0xa4: {  	[tilespmem:v3+s20+$0x0] =	vst.idx.add.f32.msk $0xffff, v2;
	v3 =	vadd.s32 v1, v61  }
0xa5: {  	[tilespmem:v9+s20+$0x0] =	vst.idx.add.f32.msk $0xffff, v2  }
0xa6: {  	[tilespmem:v7+s20+$0x0] =	vst.idx.add.f32.msk $0xffff, v2  }
0xa7: {  	s29 =	simm.s32 $0x0;
	[tilespmem:v5+s20+$0x0] =	vst.idx.add.f32.msk $0xffff, v2  }
.LBB2_9:
0xa8: {  	s29 =	sadd.s32 $0x10, s29;
	[tilespmem:v4+s20+$0x0] =	vst.idx.add.f32.msk $0xffff, v2;
	s28 =	sadd.s32 $0x100, s28  }
0xa9: {  	p0 =	slt.u32 s29, $0x240;
	[tilespmem:v3+s20+$0x0] =	vst.idx.add.f32.msk $0xffff, v2  }
0xaa: {  	v3 =	vld [tilespmem:s28+$0x10]  }
0xab: {  	v4 =	vld [tilespmem:s28+$0x0]  }
0xac: {  	v5 =	vld [tilespmem:s28+$0xFFFFFF80]  }
0xad: {  	v6 =	vld [tilespmem:s28+$0x70]  }
0xae: {  	v7 =	vld [tilespmem:s28+$0xFFFFFFA0]  }
0xaf: {  	v8 =	vld [tilespmem:s28+$0xFFFFFFB0]  }
0xb0: {  	v9 =	vld [tilespmem:s28+$0xFFFFFFC0]  }
0xb1: {  	v5 =	vadd.s32 v1, v5;
	v10 =	vld [tilespmem:s28+$0x60]  }
0xb2: {  	v11 =	vld [tilespmem:s28+$0x50];
	v6 =	vadd.s32 v1, v6  }
0xb3: {  	v12 =	vld [tilespmem:s28+$0x40]  }
0xb4: {  	v13 =	vld [tilespmem:s28+$0x30]  }
0xb5: {  	v14 =	vld [tilespmem:s28+$0x20]  }
0xb6: {  	[tilespmem:v5+s20+$0x0] =	vst.idx.add.f32.msk $0xffff, v2;
	v5 =	vadd.s32 v1, v10  }
0xb7: {  	v10 =	vadd.s32 v1, v11;
	[tilespmem:v6+s20+$0x0] =	vst.idx.add.f32.msk $0xffff, v2  }
0xb8: {  	v6 =	vld [tilespmem:s28+$0xFFFFFFF0];
	v11 =	vadd.s32 v1, v12  }
0xb9: {  	v12 =	vld [tilespmem:s28+$0xFFFFFFE0]  }
0xba: {  	v15 =	vld [tilespmem:s28+$0xFFFFFFD0];
	v14 =	vadd.s32 v1, v14  }
0xbb: {  	v16 =	vadd.s32 v1, v3;
	[tilespmem:v5+s20+$0x0] =	vst.idx.add.f32.msk $0xffff, v2  }
0xbc: {  	v4 =	vadd.s32 v1, v4;
	[tilespmem:v10+s20+$0x0] =	vst.idx.add.f32.msk $0xffff, v2  }
0xbd: {  	v5 =	vadd.s32 v1, v6;
	[tilespmem:v11+s20+$0x0] =	vst.idx.add.f32.msk $0xffff, v2  }
0xbe: {  	v10 =	vadd.s32 v1, v13;
	v6 =	vld [tilespmem:s28+$0xFFFFFF90];
	v3 =	vadd.s32 v1, v12  }
0xbf: {  	v11 =	vadd.s32 v1, v15;
	[tilespmem:v14+s20+$0x0] =	vst.idx.add.f32.msk $0xffff, v2  }
0xc0: {  	v9 =	vadd.s32 v1, v9;
	[tilespmem:v16+s20+$0x0] =	vst.idx.add.f32.msk $0xffff, v2  }
0xc1: {  	v8 =	vadd.s32 v1, v8;
	[tilespmem:v4+s20+$0x0] =	vst.idx.add.f32.msk $0xffff, v2  }
0xc2: {  	v7 =	vadd.s32 v1, v7;
	[tilespmem:v5+s20+$0x0] =	vst.idx.add.f32.msk $0xffff, v2  }
.Ltmp3:
0xc3: {  	v4 =	vadd.s32 v1, v6;
	[tilespmem:v10+s20+$0x0] =	vst.idx.add.f32.msk $0xffff, v2;
	(pc) =	sbr.rel @p0 .LBB2_9-.Ltmp3, $4  }
0xc4: {  	[tilespmem:v11+s20+$0x0] =	vst.idx.add.f32.msk $0xffff, v2  }
0xc5: {  	[tilespmem:v9+s20+$0x0] =	vst.idx.add.f32.msk $0xffff, v2  }
0xc6: {  	[tilespmem:v8+s20+$0x0] =	vst.idx.add.f32.msk $0xffff, v2  }
0xc7: {  	[tilespmem:v7+s20+$0x0] =	vst.idx.add.f32.msk $0xffff, v2  }
0xc8: {  	_ =	sdelay $0x3  }
0xc9: {  	[tilespmem:v4+s20+$0x0] =	vst.idx.add.f32.msk $0xffff, v2  }
0xca: {  	s0 =	simm.s32 $0x0;
	[tilespmem:v3+s20+$0x0] =	vst.idx.add.f32.msk $0xffff, v2  }
.LBB2_11:
0xcb: {  	s28 =	sshra.s32 s0, $0x2  }
0xcc: {  	v3 =	vld [tilespmem:s28+$0x4A80];
	_ =	sdelay $0x4  }
0xcd: {  	p0 =	sne.s32 s0, $0x1C0;
	v3 =	vadd.s32 v1, v3  }
.Ltmp4:
0xce: {  	_ = 	snop;
	(pc) =	sbr.rel @p0 .LBB2_11-.Ltmp4, $2  }
0xcf: {  	_ =	sdelay $0x2  }
0xd0: {  	s0 =	sadd.s32 $0x40, s0;
	[tilespmem:v3+s20+$0x0] =	vst.idx.add.f32.msk $0xffff, v2  }
0xd1: {  	s26 =	sadd.s32 $0x1, s26  }
0xd2: {  	p0 =	sne.s32 s26, $0x18  }
.Ltmp5:
0xd3: {  	_ = 	snop;
	(pc) =	sbr.rel @p0 .LBB2_4-.Ltmp5, $1  }
0xd4: {  	_ =	sdelay $0x3  }
0xd5: {  	s26 =	simm.s32 $0x0  }
0xd6: {  	[tilespmem:s26], [sflag:$0x1] =	stream.linear.gather [hbm4b:s10+s26], $0x2580, $0x38;
	[tilespmem:$0x17300] =	vst v63  }
.LBB2_14:
0xd7: {  	s28 =	smul.u32 $0x4B00, s26;
	_ =	sdelay $0x1  }
0xd8: {  	s0 =	sadd.s32 s28, s8  }
0xd9: {  	s0 =	sshrl.u32 s0, $0x3  }
0xda: {  	s0 =	sadd.s32 s3, s0  }
0xdb: {  	[tilespmem:s18], [sflag:$0x2] =	stream.linear.gather [hbm4b:s0+s2], $0x2580, $0x38;
	[tilespmem:$0x17300] =	vst v63  }
0xdc: {  	_ =	swait.ge [sflag:s19], $0x2580  }
0xdd: {  	[sflag:s19] =	ssyncset.done $0x0  }
0xde: {  	s29 =	simm.s32 $0x80;
	[sflag:s19] =	ssyncadd.s32 $0xFFFFDA80  }
0xdf: {  	v3 =	vld [tilespmem:s29+$0x0];
	_ =	sdelay $0x4  }
0xe0: {  	v4 =	vld [tilespmem:s29+$0xFFFFFF80];
	v3 =	vadd.s32 v1, v3;
	_ =	sdelay $0x4  }
0xe1: {  	v4 =	vadd.s32 v1, v4;
	[tilespmem:v3+s20+$0x0] =	vst.idx.add.f32.msk $0xffff, v2  }
0xe2: {  	v3 =	vld [tilespmem:s29+$0x10];
	_ =	sdelay $0x3  }
0xe3: {  	[tilespmem:v4+s20+$0x0] =	vst.idx.add.f32.msk $0xffff, v2  }
0xe4: {  	v4 =	vld [tilespmem:s29+$0xFFFFFF90];
	v3 =	vadd.s32 v1, v3;
	_ =	sdelay $0x2  }
0xe5: {  	s30 =	simm.s32 $0x180  }
0xe6: {  	v5 =	vld [tilespmem:s30+$0x0]  }
0xe7: {  	v4 =	vadd.s32 v1, v4;
	[tilespmem:v3+s20+$0x0] =	vst.idx.add.f32.msk $0xffff, v2  }
0xe8: {  	v3 =	vld [tilespmem:s29+$0x20];
	_ =	sdelay $0x2  }
0xe9: {  	v6 =	vld [tilespmem:s30+$0xFFFFFF80];
	v5 =	vadd.s32 v1, v5  }
0xea: {  	[tilespmem:v4+s20+$0x0] =	vst.idx.add.f32.msk $0xffff, v2  }
0xeb: {  	v4 =	vld [tilespmem:s29+$0xFFFFFFA0];
	v3 =	vadd.s32 v1, v3;
	_ =	sdelay $0x2  }
0xec: {  	v6 =	vadd.s32 v1, v6;
	[tilespmem:v5+s20+$0x0] =	vst.idx.add.f32.msk $0xffff, v2  }
0xed: {  	v7 =	vld [tilespmem:s30+$0x10]  }
0xee: {  	v4 =	vadd.s32 v1, v4;
	[tilespmem:v3+s20+$0x0] =	vst.idx.add.f32.msk $0xffff, v2  }
0xef: {  	v3 =	vld [tilespmem:s29+$0x30];
	_ =	sdelay $0x1  }
0xf0: {  	[tilespmem:v6+s20+$0x0] =	vst.idx.add.f32.msk $0xffff, v2  }
0xf1: {  	v5 =	vld [tilespmem:s30+$0xFFFFFF90];
	v6 =	vadd.s32 v1, v7  }
0xf2: {  	[tilespmem:v4+s20+$0x0] =	vst.idx.add.f32.msk $0xffff, v2  }
0xf3: {  	v4 =	vld [tilespmem:s29+$0xFFFFFFB0];
	v3 =	vadd.s32 v1, v3  }
0xf4: {  	s31 =	simm.s32 $0x2;
	s0 =	simm.s32 $0x280  }
.LBB2_15:
0xf5: {  	v7 =	vld [tilespmem:s0+$0x0];
	s31 =	sadd.s32 $0x2, s31  }
0xf6: {  	p0 =	slt.u32 s31, $0x48;
	v5 =	vadd.s32 v1, v5;
	[tilespmem:v6+s20+$0x0] =	vst.idx.add.f32.msk $0xffff, v2  }
0xf7: {  	v6 =	vld [tilespmem:s30+$0x20]  }
0xf8: {  	v4 =	vadd.s32 v1, v4;
	[tilespmem:v3+s20+$0x0] =	vst.idx.add.f32.msk $0xffff, v2  }
0xf9: {  	v3 =	vld [tilespmem:s29+$0x40]  }
0xfa: {  	v8 =	vld [tilespmem:s0+$0xFFFFFF80];
	v7 =	vadd.s32 v1, v7  }
0xfb: {  	[tilespmem:v5+s20+$0x0] =	vst.idx.add.f32.msk $0xffff, v2  }
0xfc: {  	v5 =	vld [tilespmem:s30+$0xFFFFFFA0];
	v6 =	vadd.s32 v1, v6  }
0xfd: {  	[tilespmem:v4+s20+$0x0] =	vst.idx.add.f32.msk $0xffff, v2  }
0xfe: {  	v4 =	vld [tilespmem:s29+$0xFFFFFFC0];
	v3 =	vadd.s32 v1, v3;
	s29 =	smov.u32 s30;
	s30 =	smov.u32 s0  }
0xff: {  	v8 =	vadd.s32 v1, v8;
	[tilespmem:v7+s20+$0x0] =	vst.idx.add.f32.msk $0xffff, v2  }
0x100: {  	v7 =	vld [tilespmem:s0+$0x10]  }
0x101: {  	v9 =	vadd.s32 v1, v5;
	[tilespmem:v6+s20+$0x0] =	vst.idx.add.f32.msk $0xffff, v2  }
0x102: {  	v10 =	vld [tilespmem:s29+$0x30]  }
0x103: {  	v11 =	vadd.s32 v1, v4;
	[tilespmem:v3+s20+$0x0] =	vst.idx.add.f32.msk $0xffff, v2  }
.Ltmp6:
0x104: {  	[tilespmem:v8+s20+$0x0] =	vst.idx.add.f32.msk $0xffff, v2;
	(pc) =	sbr.rel @p0 .LBB2_15-.Ltmp6, $4  }
0x105: {  	v5 =	vld [tilespmem:s0+$0xFFFFFF90];
	v6 =	vadd.s32 v1, v7  }
0x106: {  	[tilespmem:v9+s20+$0x0] =	vst.idx.add.f32.msk $0xffff, v2  }
0x107: {  	v4 =	vld [tilespmem:s29+$0xFFFFFFB0];
	v3 =	vadd.s32 v1, v10  }
0x108: {  	s0 =	sadd.s32 $0x100, s0;
	[tilespmem:v11+s20+$0x0] =	vst.idx.add.f32.msk $0xffff, v2  }
0x109: {  	_ = 	snop  }
0x10a: {  	v5 =	vadd.s32 v1, v5;
	_ =	sdelay $0x2  }
0x10b: {  	[tilespmem:v6+s20+$0x0] =	vst.idx.add.f32.msk $0xffff, v2  }
0x10c: {  	v6 =	vld [tilespmem:s30+$0x20]  }
0x10d: {  	[tilespmem:v5+s20+$0x0] =	vst.idx.add.f32.msk $0xffff, v2  }
0x10e: {  	v5 =	vld [tilespmem:s30+$0xFFFFFFA0];
	_ =	sdelay $0x2  }
0x10f: {  	v6 =	vadd.s32 v1, v6;
	_ =	sdelay $0x1  }
0x110: {  	v5 =	vadd.s32 v1, v5;
	_ =	sdelay $0x2  }
0x111: {  	[tilespmem:v6+s20+$0x0] =	vst.idx.add.f32.msk $0xffff, v2  }
0x112: {  	v6 =	vld [tilespmem:s30+$0x30]  }
0x113: {  	[tilespmem:v5+s20+$0x0] =	vst.idx.add.f32.msk $0xffff, v2  }
0x114: {  	v5 =	vld [tilespmem:s30+$0xFFFFFFB0]  }
0x115: {  	v4 =	vadd.s32 v1, v4;
	_ =	sdelay $0x1  }
0x116: {  	v6 =	vadd.s32 v1, v6  }
0x117: {  	[tilespmem:v3+s20+$0x0] =	vst.idx.add.f32.msk $0xffff, v2  }
0x118: {  	v3 =	vld [tilespmem:s29+$0x40];
	v5 =	vadd.s32 v1, v5  }
0x119: {  	[tilespmem:v4+s20+$0x0] =	vst.idx.add.f32.msk $0xffff, v2  }
0x11a: {  	v4 =	vld [tilespmem:s29+$0xFFFFFFC0]  }
0x11b: {  	[tilespmem:v6+s20+$0x0] =	vst.idx.add.f32.msk $0xffff, v2  }
0x11c: {  	v6 =	vld [tilespmem:s30+$0x40]  }
0x11d: {  	[tilespmem:v5+s20+$0x0] =	vst.idx.add.f32.msk $0xffff, v2  }
0x11e: {  	v5 =	vld [tilespmem:s30+$0xFFFFFFC0];
	_ =	sdelay $0x1  }
0x11f: {  	v3 =	vadd.s32 v1, v3  }
0x120: {  	v4 =	vadd.s32 v1, v4  }
0x121: {  	v6 =	vadd.s32 v1, v6  }
0x122: {  	v5 =	vadd.s32 v1, v5;
	_ =	sdelay $0x1  }
0x123: {  	[tilespmem:v3+s20+$0x0] =	vst.idx.add.f32.msk $0xffff, v2  }
0x124: {  	[tilespmem:v4+s20+$0x0] =	vst.idx.add.f32.msk $0xffff, v2  }
0x125: {  	[tilespmem:v6+s20+$0x0] =	vst.idx.add.f32.msk $0xffff, v2  }
0x126: {  	[tilespmem:v5+s20+$0x0] =	vst.idx.add.f32.msk $0xffff, v2  }
0x127: {  	v3 =	vld [tilespmem:$0x2500];
	_ =	sdelay $0x4  }
0x128: {  	v3 =	vadd.s32 v1, v3;
	_ =	sdelay $0x4  }
0x129: {  	[tilespmem:v3+s20+$0x0] =	vst.idx.add.f32.msk $0xffff, v2  }
0x12a: {  	v3 =	vld [tilespmem:$0x2510];
	_ =	sdelay $0x4  }
0x12b: {  	v3 =	vadd.s32 v1, v3;
	_ =	sdelay $0x4  }
0x12c: {  	[tilespmem:v3+s20+$0x0] =	vst.idx.add.f32.msk $0xffff, v2  }
0x12d: {  	v3 =	vld [tilespmem:$0x2520];
	_ =	sdelay $0x4  }
0x12e: {  	v3 =	vadd.s32 v1, v3;
	_ =	sdelay $0x4  }
0x12f: {  	[tilespmem:v3+s20+$0x0] =	vst.idx.add.f32.msk $0xffff, v2  }
0x130: {  	v3 =	vld [tilespmem:$0x2530];
	_ =	sdelay $0x4  }
0x131: {  	v3 =	vadd.s32 v1, v3;
	_ =	sdelay $0x4  }
0x132: {  	[tilespmem:v3+s20+$0x0] =	vst.idx.add.f32.msk $0xffff, v2  }
0x133: {  	v3 =	vld [tilespmem:$0x2540];
	_ =	sdelay $0x4  }
0x134: {  	v3 =	vadd.s32 v1, v3;
	_ =	sdelay $0x1  }
0x135: {  	p0 =	seq.s32 s26, $0x17  }
0x136: {  	s0 =	sadd.s32 @!p0 s28, s9  }
0x137: {  	s0 =	sshrl.u32 @!p0 s0, $0x3  }
0x138: {  	s28 =	simm.s32 @!p0 $0x0;
	s0 =	sadd.s32 @!p0 s3, s0;
	[tilespmem:v3+s20+$0x0] =	vst.idx.add.f32.msk $0xffff, v2  }
0x139: {  	[tilespmem:s28], [sflag:$0x1] =	stream.linear.gather @!p0 [hbm4b:s0+s28], $0x2580, $0x38;
	[tilespmem:$0x17300] =	vst v63  }
0x13a: {  	_ =	swait.ge [sflag:s21], $0x2580  }
0x13b: {  	[sflag:s21] =	ssyncset.done $0x0  }
0x13c: {  	s28 =	simm.s32 $0x2600;
	[sflag:s21] =	ssyncadd.s32 $0xFFFFDA80  }
0x13d: {  	v3 =	vld [tilespmem:s28+$0x0];
	_ =	sdelay $0x4  }
0x13e: {  	v4 =	vld [tilespmem:s28+$0xFFFFFF80];
	v3 =	vadd.s32 v1, v3;
	_ =	sdelay $0x4  }
0x13f: {  	v4 =	vadd.s32 v1, v4;
	[tilespmem:v3+s20+$0x0] =	vst.idx.add.f32.msk $0xffff, v2  }
0x140: {  	v3 =	vld [tilespmem:s28+$0x10];
	_ =	sdelay $0x3  }
0x141: {  	[tilespmem:v4+s20+$0x0] =	vst.idx.add.f32.msk $0xffff, v2  }
0x142: {  	v4 =	vld [tilespmem:s28+$0xFFFFFF90];
	v3 =	vadd.s32 v1, v3;
	_ =	sdelay $0x2  }
0x143: {  	s29 =	simm.s32 $0x2700  }
0x144: {  	v5 =	vld [tilespmem:s29+$0x0]  }
0x145: {  	v4 =	vadd.s32 v1, v4;
	[tilespmem:v3+s20+$0x0] =	vst.idx.add.f32.msk $0xffff, v2  }
0x146: {  	v3 =	vld [tilespmem:s28+$0x20];
	_ =	sdelay $0x2  }
0x147: {  	v6 =	vld [tilespmem:s29+$0xFFFFFF80];
	v5 =	vadd.s32 v1, v5  }
0x148: {  	[tilespmem:v4+s20+$0x0] =	vst.idx.add.f32.msk $0xffff, v2  }
0x149: {  	v4 =	vld [tilespmem:s28+$0xFFFFFFA0];
	v3 =	vadd.s32 v1, v3;
	_ =	sdelay $0x2  }
0x14a: {  	v6 =	vadd.s32 v1, v6;
	[tilespmem:v5+s20+$0x0] =	vst.idx.add.f32.msk $0xffff, v2  }
0x14b: {  	v7 =	vld [tilespmem:s29+$0x10]  }
0x14c: {  	v4 =	vadd.s32 v1, v4;
	[tilespmem:v3+s20+$0x0] =	vst.idx.add.f32.msk $0xffff, v2  }
0x14d: {  	v3 =	vld [tilespmem:s28+$0x30];
	_ =	sdelay $0x1  }
0x14e: {  	[tilespmem:v6+s20+$0x0] =	vst.idx.add.f32.msk $0xffff, v2  }
0x14f: {  	v5 =	vld [tilespmem:s29+$0xFFFFFF90];
	v6 =	vadd.s32 v1, v7  }
0x150: {  	[tilespmem:v4+s20+$0x0] =	vst.idx.add.f32.msk $0xffff, v2  }
0x151: {  	v4 =	vld [tilespmem:s28+$0xFFFFFFB0];
	v3 =	vadd.s32 v1, v3  }
0x152: {  	s30 =	simm.s32 $0x2;
	s0 =	simm.s32 $0x2800  }
.LBB2_17:
0x153: {  	v7 =	vld [tilespmem:s0+$0x0];
	s30 =	sadd.s32 $0x2, s30  }
0x154: {  	p0 =	slt.u32 s30, $0x48;
	v5 =	vadd.s32 v1, v5;
	[tilespmem:v6+s20+$0x0] =	vst.idx.add.f32.msk $0xffff, v2  }
0x155: {  	v6 =	vld [tilespmem:s29+$0x20]  }
0x156: {  	v4 =	vadd.s32 v1, v4;
	[tilespmem:v3+s20+$0x0] =	vst.idx.add.f32.msk $0xffff, v2  }
0x157: {  	v3 =	vld [tilespmem:s28+$0x40]  }
0x158: {  	v8 =	vld [tilespmem:s0+$0xFFFFFF80];
	v7 =	vadd.s32 v1, v7  }
0x159: {  	[tilespmem:v5+s20+$0x0] =	vst.idx.add.f32.msk $0xffff, v2  }
0x15a: {  	v5 =	vld [tilespmem:s29+$0xFFFFFFA0];
	v6 =	vadd.s32 v1, v6  }
0x15b: {  	[tilespmem:v4+s20+$0x0] =	vst.idx.add.f32.msk $0xffff, v2  }
0x15c: {  	v4 =	vld [tilespmem:s28+$0xFFFFFFC0];
	v3 =	vadd.s32 v1, v3;
	s28 =	smov.u32 s29;
	s29 =	smov.u32 s0  }
0x15d: {  	v8 =	vadd.s32 v1, v8;
	[tilespmem:v7+s20+$0x0] =	vst.idx.add.f32.msk $0xffff, v2  }
0x15e: {  	v7 =	vld [tilespmem:s0+$0x10]  }
0x15f: {  	v9 =	vadd.s32 v1, v5;
	[tilespmem:v6+s20+$0x0] =	vst.idx.add.f32.msk $0xffff, v2  }
0x160: {  	v10 =	vld [tilespmem:s28+$0x30]  }
0x161: {  	v11 =	vadd.s32 v1, v4;
	[tilespmem:v3+s20+$0x0] =	vst.idx.add.f32.msk $0xffff, v2  }
.Ltmp7:
0x162: {  	[tilespmem:v8+s20+$0x0] =	vst.idx.add.f32.msk $0xffff, v2;
	(pc) =	sbr.rel @p0 .LBB2_17-.Ltmp7, $4  }
0x163: {  	v5 =	vld [tilespmem:s0+$0xFFFFFF90];
	v6 =	vadd.s32 v1, v7  }
0x164: {  	[tilespmem:v9+s20+$0x0] =	vst.idx.add.f32.msk $0xffff, v2  }
0x165: {  	v4 =	vld [tilespmem:s28+$0xFFFFFFB0];
	v3 =	vadd.s32 v1, v10  }
0x166: {  	s0 =	sadd.s32 $0x100, s0;
	[tilespmem:v11+s20+$0x0] =	vst.idx.add.f32.msk $0xffff, v2  }
0x167: {  	_ = 	snop  }
0x168: {  	v5 =	vadd.s32 v1, v5;
	_ =	sdelay $0x2  }
0x169: {  	[tilespmem:v6+s20+$0x0] =	vst.idx.add.f32.msk $0xffff, v2  }
0x16a: {  	v6 =	vld [tilespmem:s29+$0x20]  }
0x16b: {  	[tilespmem:v5+s20+$0x0] =	vst.idx.add.f32.msk $0xffff, v2  }
0x16c: {  	v5 =	vld [tilespmem:s29+$0xFFFFFFA0];
	_ =	sdelay $0x2  }
0x16d: {  	v6 =	vadd.s32 v1, v6;
	_ =	sdelay $0x1  }
0x16e: {  	v5 =	vadd.s32 v1, v5;
	_ =	sdelay $0x2  }
0x16f: {  	[tilespmem:v6+s20+$0x0] =	vst.idx.add.f32.msk $0xffff, v2  }
0x170: {  	v6 =	vld [tilespmem:s29+$0x30]  }
0x171: {  	[tilespmem:v5+s20+$0x0] =	vst.idx.add.f32.msk $0xffff, v2  }
0x172: {  	v5 =	vld [tilespmem:s29+$0xFFFFFFB0]  }
0x173: {  	v4 =	vadd.s32 v1, v4;
	_ =	sdelay $0x1  }
0x174: {  	v6 =	vadd.s32 v1, v6  }
0x175: {  	[tilespmem:v3+s20+$0x0] =	vst.idx.add.f32.msk $0xffff, v2  }
0x176: {  	v3 =	vld [tilespmem:s28+$0x40];
	v5 =	vadd.s32 v1, v5  }
0x177: {  	[tilespmem:v4+s20+$0x0] =	vst.idx.add.f32.msk $0xffff, v2  }
0x178: {  	v4 =	vld [tilespmem:s28+$0xFFFFFFC0]  }
0x179: {  	[tilespmem:v6+s20+$0x0] =	vst.idx.add.f32.msk $0xffff, v2  }
0x17a: {  	v6 =	vld [tilespmem:s29+$0x40]  }
0x17b: {  	[tilespmem:v5+s20+$0x0] =	vst.idx.add.f32.msk $0xffff, v2  }
0x17c: {  	v5 =	vld [tilespmem:s29+$0xFFFFFFC0];
	_ =	sdelay $0x1  }
0x17d: {  	v3 =	vadd.s32 v1, v3  }
0x17e: {  	v4 =	vadd.s32 v1, v4  }
0x17f: {  	v6 =	vadd.s32 v1, v6  }
0x180: {  	v5 =	vadd.s32 v1, v5;
	_ =	sdelay $0x1  }
0x181: {  	[tilespmem:v3+s20+$0x0] =	vst.idx.add.f32.msk $0xffff, v2  }
0x182: {  	[tilespmem:v4+s20+$0x0] =	vst.idx.add.f32.msk $0xffff, v2  }
0x183: {  	[tilespmem:v6+s20+$0x0] =	vst.idx.add.f32.msk $0xffff, v2  }
0x184: {  	[tilespmem:v5+s20+$0x0] =	vst.idx.add.f32.msk $0xffff, v2  }
0x185: {  	v3 =	vld [tilespmem:$0x4A80];
	_ =	sdelay $0x4  }
0x186: {  	v3 =	vadd.s32 v1, v3;
	_ =	sdelay $0x4  }
0x187: {  	[tilespmem:v3+s20+$0x0] =	vst.idx.add.f32.msk $0xffff, v2  }
0x188: {  	v3 =	vld [tilespmem:$0x4A90];
	_ =	sdelay $0x4  }
0x189: {  	v3 =	vadd.s32 v1, v3;
	_ =	sdelay $0x4  }
0x18a: {  	[tilespmem:v3+s20+$0x0] =	vst.idx.add.f32.msk $0xffff, v2  }
0x18b: {  	v3 =	vld [tilespmem:$0x4AA0];
	_ =	sdelay $0x4  }
0x18c: {  	v3 =	vadd.s32 v1, v3;
	_ =	sdelay $0x4  }
0x18d: {  	[tilespmem:v3+s20+$0x0] =	vst.idx.add.f32.msk $0xffff, v2  }
0x18e: {  	v3 =	vld [tilespmem:$0x4AB0];
	_ =	sdelay $0x4  }
0x18f: {  	v3 =	vadd.s32 v1, v3;
	_ =	sdelay $0x4  }
0x190: {  	[tilespmem:v3+s20+$0x0] =	vst.idx.add.f32.msk $0xffff, v2  }
0x191: {  	v3 =	vld [tilespmem:$0x4AC0];
	_ =	sdelay $0x3  }
0x192: {  	s26 =	sadd.s32 $0x1, s26  }
0x193: {  	p0 =	sne.s32 s26, $0x18;
	v3 =	vadd.s32 v1, v3  }
.Ltmp8:
0x194: {  	_ = 	snop;
	(pc) =	sbr.rel @p0 .LBB2_14-.Ltmp8, $2  }
0x195: {  	_ =	sdelay $0x2  }
0x196: {  	[tilespmem:v3+s20+$0x0] =	vst.idx.add.f32.msk $0xffff, v2  }
0x197: {  	s0 =	simm.s32 $0x0;
	p1 =	por $0x1, $0x1  }
0x198: {  	[tilespmem:s0], [sflag:$0x1] =	stream.linear.gather [hbm4b:s11+s0], $0x1900, $0x38;
	[tilespmem:$0x17300] =	vst v63  }
.LBB2_20:
0x199: {  	s0 =	sadd.s32 s0, s12  }
0x19a: {  	s0 =	sshrl.u32 s0, $0x3  }
0x19b: {  	s0 =	sadd.s32 s4, s0  }
0x19c: {  	[tilespmem:s18], [sflag:$0x2] =	stream.linear.gather [hbm4b:s0+s2], $0x1900, $0x38;
	[tilespmem:$0x17300] =	vst v63  }
0x19d: {  	_ =	swait.ge [sflag:s19], $0x1900  }
0x19e: {  	[sflag:s19] =	ssyncset.done $0x0  }
0x19f: {  	s26 =	simm.s32 $0x80;
	[sflag:s19] =	ssyncadd.s32 $0xFFFFE700  }
0x1a0: {  	v3 =	vld [tilespmem:s26+$0x10]  }
0x1a1: {  	v4 =	vld [tilespmem:s26+$0x0]  }
0x1a2: {  	v5 =	vld [tilespmem:s26+$0xFFFFFF80]  }
0x1a3: {  	v6 =	vld [tilespmem:s26+$0x70]  }
0x1a4: {  	v7 =	vld [tilespmem:s26+$0xFFFFFFA0]  }
0x1a5: {  	v8 =	vld [tilespmem:s26+$0xFFFFFFB0]  }
0x1a6: {  	v9 =	vld [tilespmem:s26+$0xFFFFFFC0]  }
0x1a7: {  	v11 =	vld [tilespmem:s26+$0x50]  }
0x1a8: {  	v12 =	vld [tilespmem:s26+$0x40];
	v5 =	vadd.s32 v1, v5  }
0x1a9: {  	v10 =	vld [tilespmem:s26+$0x60];
	v6 =	vadd.s32 v1, v6  }
0x1aa: {  	v13 =	vld [tilespmem:s26+$0x30]  }
0x1ab: {  	v14 =	vld [tilespmem:s26+$0x20]  }
0x1ac: {  	v15 =	vld [tilespmem:s26+$0xFFFFFFD0];
	v59 =	vadd.s32 v1, v11  }
0x1ad: {  	v60 =	vadd.s32 v1, v12;
	[tilespmem:v5+s20+$0x0] =	vst.idx.add.f32.msk $0xffff, v2  }
0x1ae: {  	v5 =	vadd.s32 v1, v10;
	[tilespmem:v6+s20+$0x0] =	vst.idx.add.f32.msk $0xffff, v2  }
0x1af: {  	v6 =	vld [tilespmem:s26+$0xFFFFFFF0]  }
0x1b0: {  	v61 =	vld [tilespmem:s26+$0xFFFFFFE0];
	v3 =	vadd.s32 v1, v3  }
0x1b1: {  	v14 =	vadd.s32 v1, v14;
	[tilespmem:v59+s20+$0x0] =	vst.idx.add.f32.msk $0xffff, v2  }
0x1b2: {  	v4 =	vadd.s32 v1, v4;
	[tilespmem:v60+s20+$0x0] =	vst.idx.add.f32.msk $0xffff, v2  }
0x1b3: {  	v62 =	vadd.s32 v1, v13;
	[tilespmem:v5+s20+$0x0] =	vst.idx.add.f32.msk $0xffff, v2  }
0x1b4: {  	v63 =	vadd.s32 v1, v15;
	v5 =	vadd.s32 v1, v6;
	v6 =	vld [tilespmem:s26+$0xFFFFFF90]  }
0x1b5: {  	[tilespmem:v3+s20+$0x0] =	vst.idx.add.f32.msk $0xffff, v2;
	v3 =	vadd.s32 v1, v8  }
0x1b6: {  	v9 =	vadd.s32 v1, v9;
	[tilespmem:v14+s20+$0x0] =	vst.idx.add.f32.msk $0xffff, v2  }
0x1b7: {  	v7 =	vadd.s32 v1, v7;
	[tilespmem:v4+s20+$0x0] =	vst.idx.add.f32.msk $0xffff, v2  }
0x1b8: {  	[tilespmem:v62+s20+$0x0] =	vst.idx.add.f32.msk $0xffff, v2  }
0x1b9: {  	[tilespmem:v63+s20+$0x0] =	vst.idx.add.f32.msk $0xffff, v2;
	v4 =	vadd.s32 v1, v6  }
0x1ba: {  	[tilespmem:v3+s20+$0x0] =	vst.idx.add.f32.msk $0xffff, v2;
	v3 =	vadd.s32 v1, v61  }
0x1bb: {  	[tilespmem:v9+s20+$0x0] =	vst.idx.add.f32.msk $0xffff, v2  }
0x1bc: {  	[tilespmem:v7+s20+$0x0] =	vst.idx.add.f32.msk $0xffff, v2  }
0x1bd: {  	p0 =	por p1, p1;
	s28 =	simm.s32 $0x0;
	[tilespmem:v5+s20+$0x0] =	vst.idx.add.f32.msk $0xffff, v2  }
.LBB2_21:
0x1be: {  	s28 =	sadd.s32 $0x10, s28;
	[tilespmem:v4+s20+$0x0] =	vst.idx.add.f32.msk $0xffff, v2;
	s26 =	sadd.s32 $0x100, s26  }
0x1bf: {  	p1 =	slt.u32 s28, $0x180;
	[tilespmem:v3+s20+$0x0] =	vst.idx.add.f32.msk $0xffff, v2  }
0x1c0: {  	v3 =	vld [tilespmem:s26+$0x10]  }
0x1c1: {  	v4 =	vld [tilespmem:s26+$0x0]  }
0x1c2: {  	v5 =	vld [tilespmem:s26+$0xFFFFFF80]  }
0x1c3: {  	v6 =	vld [tilespmem:s26+$0x70]  }
0x1c4: {  	v7 =	vld [tilespmem:s26+$0xFFFFFFA0]  }
0x1c5: {  	v8 =	vld [tilespmem:s26+$0xFFFFFFB0]  }
0x1c6: {  	v9 =	vld [tilespmem:s26+$0xFFFFFFC0]  }
0x1c7: {  	v5 =	vadd.s32 v1, v5;
	v10 =	vld [tilespmem:s26+$0x60]  }
0x1c8: {  	v11 =	vld [tilespmem:s26+$0x50];
	v6 =	vadd.s32 v1, v6  }
0x1c9: {  	v12 =	vld [tilespmem:s26+$0x40]  }
0x1ca: {  	v13 =	vld [tilespmem:s26+$0x30]  }
0x1cb: {  	v14 =	vld [tilespmem:s26+$0x20]  }
0x1cc: {  	[tilespmem:v5+s20+$0x0] =	vst.idx.add.f32.msk $0xffff, v2;
	v5 =	vadd.s32 v1, v10  }
0x1cd: {  	v10 =	vadd.s32 v1, v11;
	[tilespmem:v6+s20+$0x0] =	vst.idx.add.f32.msk $0xffff, v2  }
0x1ce: {  	v6 =	vld [tilespmem:s26+$0xFFFFFFF0];
	v11 =	vadd.s32 v1, v12  }
0x1cf: {  	v12 =	vld [tilespmem:s26+$0xFFFFFFE0]  }
0x1d0: {  	v15 =	vld [tilespmem:s26+$0xFFFFFFD0];
	v14 =	vadd.s32 v1, v14  }
0x1d1: {  	v16 =	vadd.s32 v1, v3;
	[tilespmem:v5+s20+$0x0] =	vst.idx.add.f32.msk $0xffff, v2  }
0x1d2: {  	v4 =	vadd.s32 v1, v4;
	[tilespmem:v10+s20+$0x0] =	vst.idx.add.f32.msk $0xffff, v2  }
0x1d3: {  	v5 =	vadd.s32 v1, v6;
	[tilespmem:v11+s20+$0x0] =	vst.idx.add.f32.msk $0xffff, v2  }
0x1d4: {  	v10 =	vadd.s32 v1, v13;
	v6 =	vld [tilespmem:s26+$0xFFFFFF90];
	v3 =	vadd.s32 v1, v12  }
0x1d5: {  	v11 =	vadd.s32 v1, v15;
	[tilespmem:v14+s20+$0x0] =	vst.idx.add.f32.msk $0xffff, v2  }
0x1d6: {  	v9 =	vadd.s32 v1, v9;
	[tilespmem:v16+s20+$0x0] =	vst.idx.add.f32.msk $0xffff, v2  }
0x1d7: {  	v8 =	vadd.s32 v1, v8;
	[tilespmem:v4+s20+$0x0] =	vst.idx.add.f32.msk $0xffff, v2  }
0x1d8: {  	v7 =	vadd.s32 v1, v7;
	[tilespmem:v5+s20+$0x0] =	vst.idx.add.f32.msk $0xffff, v2  }
.Ltmp9:
0x1d9: {  	v4 =	vadd.s32 v1, v6;
	[tilespmem:v10+s20+$0x0] =	vst.idx.add.f32.msk $0xffff, v2;
	(pc) =	sbr.rel @p1 .LBB2_21-.Ltmp9, $4  }
0x1da: {  	[tilespmem:v11+s20+$0x0] =	vst.idx.add.f32.msk $0xffff, v2  }
0x1db: {  	[tilespmem:v9+s20+$0x0] =	vst.idx.add.f32.msk $0xffff, v2  }
0x1dc: {  	[tilespmem:v8+s20+$0x0] =	vst.idx.add.f32.msk $0xffff, v2  }
0x1dd: {  	[tilespmem:v7+s20+$0x0] =	vst.idx.add.f32.msk $0xffff, v2  }
0x1de: {  	_ =	sdelay $0x3  }
0x1df: {  	[tilespmem:v4+s20+$0x0] =	vst.idx.add.f32.msk $0xffff, v2  }
0x1e0: {  	[tilespmem:v3+s20+$0x0] =	vst.idx.add.f32.msk $0xffff, v2;
	s0 =	simm.s32 @p0 $0x0  }
0x1e1: {  	[tilespmem:s0], [sflag:$0x1] =	stream.linear.gather @p0 [hbm4b:s13+s0], $0x1900, $0x38;
	[tilespmem:$0x17300] =	vst v63  }
0x1e2: {  	_ =	swait.ge [sflag:s21], $0x1900  }
0x1e3: {  	[sflag:s21] =	ssyncset.done $0x0  }
0x1e4: {  	s26 =	simm.s32 $0x2600;
	[sflag:s21] =	ssyncadd.s32 $0xFFFFE700  }
0x1e5: {  	v3 =	vld [tilespmem:s26+$0x10]  }
0x1e6: {  	v4 =	vld [tilespmem:s26+$0x0]  }
0x1e7: {  	v5 =	vld [tilespmem:s26+$0xFFFFFF80]  }
0x1e8: {  	v6 =	vld [tilespmem:s26+$0x70]  }
0x1e9: {  	v7 =	vld [tilespmem:s26+$0xFFFFFFA0]  }
0x1ea: {  	v8 =	vld [tilespmem:s26+$0xFFFFFFB0]  }
0x1eb: {  	v9 =	vld [tilespmem:s26+$0xFFFFFFC0]  }
0x1ec: {  	v11 =	vld [tilespmem:s26+$0x50]  }
0x1ed: {  	v12 =	vld [tilespmem:s26+$0x40];
	v5 =	vadd.s32 v1, v5  }
0x1ee: {  	v10 =	vld [tilespmem:s26+$0x60];
	v6 =	vadd.s32 v1, v6  }
0x1ef: {  	v13 =	vld [tilespmem:s26+$0x30]  }
0x1f0: {  	v14 =	vld [tilespmem:s26+$0x20]  }
0x1f1: {  	v15 =	vld [tilespmem:s26+$0xFFFFFFD0];
	v59 =	vadd.s32 v1, v11  }
0x1f2: {  	v60 =	vadd.s32 v1, v12;
	[tilespmem:v5+s20+$0x0] =	vst.idx.add.f32.msk $0xffff, v2  }
0x1f3: {  	v5 =	vadd.s32 v1, v10;
	[tilespmem:v6+s20+$0x0] =	vst.idx.add.f32.msk $0xffff, v2  }
0x1f4: {  	v6 =	vld [tilespmem:s26+$0xFFFFFFF0]  }
0x1f5: {  	v61 =	vld [tilespmem:s26+$0xFFFFFFE0];
	v3 =	vadd.s32 v1, v3  }
0x1f6: {  	v14 =	vadd.s32 v1, v14;
	[tilespmem:v59+s20+$0x0] =	vst.idx.add.f32.msk $0xffff, v2  }
0x1f7: {  	v4 =	vadd.s32 v1, v4;
	[tilespmem:v60+s20+$0x0] =	vst.idx.add.f32.msk $0xffff, v2  }
0x1f8: {  	v62 =	vadd.s32 v1, v13;
	[tilespmem:v5+s20+$0x0] =	vst.idx.add.f32.msk $0xffff, v2  }
0x1f9: {  	v63 =	vadd.s32 v1, v15;
	v5 =	vadd.s32 v1, v6;
	v6 =	vld [tilespmem:s26+$0xFFFFFF90]  }
0x1fa: {  	[tilespmem:v3+s20+$0x0] =	vst.idx.add.f32.msk $0xffff, v2;
	v3 =	vadd.s32 v1, v8  }
0x1fb: {  	v9 =	vadd.s32 v1, v9;
	[tilespmem:v14+s20+$0x0] =	vst.idx.add.f32.msk $0xffff, v2  }
0x1fc: {  	v7 =	vadd.s32 v1, v7;
	[tilespmem:v4+s20+$0x0] =	vst.idx.add.f32.msk $0xffff, v2  }
0x1fd: {  	[tilespmem:v62+s20+$0x0] =	vst.idx.add.f32.msk $0xffff, v2  }
0x1fe: {  	[tilespmem:v63+s20+$0x0] =	vst.idx.add.f32.msk $0xffff, v2;
	v4 =	vadd.s32 v1, v6  }
0x1ff: {  	[tilespmem:v3+s20+$0x0] =	vst.idx.add.f32.msk $0xffff, v2;
	v3 =	vadd.s32 v1, v61  }
0x200: {  	[tilespmem:v9+s20+$0x0] =	vst.idx.add.f32.msk $0xffff, v2  }
0x201: {  	[tilespmem:v7+s20+$0x0] =	vst.idx.add.f32.msk $0xffff, v2  }
0x202: {  	s28 =	simm.s32 $0x0;
	[tilespmem:v5+s20+$0x0] =	vst.idx.add.f32.msk $0xffff, v2  }
.LBB2_23:
0x203: {  	s28 =	sadd.s32 $0x10, s28;
	[tilespmem:v4+s20+$0x0] =	vst.idx.add.f32.msk $0xffff, v2;
	s26 =	sadd.s32 $0x100, s26  }
0x204: {  	p1 =	slt.u32 s28, $0x180;
	[tilespmem:v3+s20+$0x0] =	vst.idx.add.f32.msk $0xffff, v2  }
0x205: {  	v3 =	vld [tilespmem:s26+$0x10]  }
0x206: {  	v4 =	vld [tilespmem:s26+$0x0]  }
0x207: {  	v5 =	vld [tilespmem:s26+$0xFFFFFF80]  }
0x208: {  	v6 =	vld [tilespmem:s26+$0x70]  }
0x209: {  	v7 =	vld [tilespmem:s26+$0xFFFFFFA0]  }
0x20a: {  	v8 =	vld [tilespmem:s26+$0xFFFFFFB0]  }
0x20b: {  	v9 =	vld [tilespmem:s26+$0xFFFFFFC0]  }
0x20c: {  	v5 =	vadd.s32 v1, v5;
	v10 =	vld [tilespmem:s26+$0x60]  }
0x20d: {  	v11 =	vld [tilespmem:s26+$0x50];
	v6 =	vadd.s32 v1, v6  }
0x20e: {  	v12 =	vld [tilespmem:s26+$0x40]  }
0x20f: {  	v13 =	vld [tilespmem:s26+$0x30]  }
0x210: {  	v14 =	vld [tilespmem:s26+$0x20]  }
0x211: {  	[tilespmem:v5+s20+$0x0] =	vst.idx.add.f32.msk $0xffff, v2;
	v5 =	vadd.s32 v1, v10  }
0x212: {  	v10 =	vadd.s32 v1, v11;
	[tilespmem:v6+s20+$0x0] =	vst.idx.add.f32.msk $0xffff, v2  }
0x213: {  	v6 =	vld [tilespmem:s26+$0xFFFFFFF0];
	v11 =	vadd.s32 v1, v12  }
0x214: {  	v12 =	vld [tilespmem:s26+$0xFFFFFFE0]  }
0x215: {  	v15 =	vld [tilespmem:s26+$0xFFFFFFD0];
	v14 =	vadd.s32 v1, v14  }
0x216: {  	v16 =	vadd.s32 v1, v3;
	[tilespmem:v5+s20+$0x0] =	vst.idx.add.f32.msk $0xffff, v2  }
0x217: {  	v4 =	vadd.s32 v1, v4;
	[tilespmem:v10+s20+$0x0] =	vst.idx.add.f32.msk $0xffff, v2  }
0x218: {  	v5 =	vadd.s32 v1, v6;
	[tilespmem:v11+s20+$0x0] =	vst.idx.add.f32.msk $0xffff, v2  }
0x219: {  	v10 =	vadd.s32 v1, v13;
	v6 =	vld [tilespmem:s26+$0xFFFFFF90];
	v3 =	vadd.s32 v1, v12  }
0x21a: {  	v11 =	vadd.s32 v1, v15;
	[tilespmem:v14+s20+$0x0] =	vst.idx.add.f32.msk $0xffff, v2  }
0x21b: {  	v9 =	vadd.s32 v1, v9;
	[tilespmem:v16+s20+$0x0] =	vst.idx.add.f32.msk $0xffff, v2  }
0x21c: {  	v8 =	vadd.s32 v1, v8;
	[tilespmem:v4+s20+$0x0] =	vst.idx.add.f32.msk $0xffff, v2  }
0x21d: {  	v7 =	vadd.s32 v1, v7;
	[tilespmem:v5+s20+$0x0] =	vst.idx.add.f32.msk $0xffff, v2  }
.Ltmp10:
0x21e: {  	v4 =	vadd.s32 v1, v6;
	[tilespmem:v10+s20+$0x0] =	vst.idx.add.f32.msk $0xffff, v2;
	(pc) =	sbr.rel @p1 .LBB2_23-.Ltmp10, $4  }
0x21f: {  	[tilespmem:v11+s20+$0x0] =	vst.idx.add.f32.msk $0xffff, v2  }
0x220: {  	[tilespmem:v9+s20+$0x0] =	vst.idx.add.f32.msk $0xffff, v2  }
0x221: {  	[tilespmem:v8+s20+$0x0] =	vst.idx.add.f32.msk $0xffff, v2  }
0x222: {  	[tilespmem:v7+s20+$0x0] =	vst.idx.add.f32.msk $0xffff, v2  }
0x223: {  	_ = 	snop  }
.Ltmp11:
0x224: {  	_ = 	snop;
	(pc) =	sbr.rel @p0 .LBB2_20-.Ltmp11, $3  }
0x225: {  	_ =	sdelay $0x1  }
0x226: {  	[tilespmem:v4+s20+$0x0] =	vst.idx.add.f32.msk $0xffff, v2  }
0x227: {  	[tilespmem:v3+s20+$0x0] =	vst.idx.add.f32.msk $0xffff, v2;
	s0 =	simm.s32 $0x3200;
	p1 =	por $0x0, $0x0  }
0x228: {  	s0 =	simm.s32 $0x0;
	p1 =	por $0x1, $0x1  }
0x229: {  	[tilespmem:s0], [sflag:$0x1] =	stream.linear.gather [hbm4b:s14+s0], $0x1900, $0x38;
	[tilespmem:$0x17300] =	vst v63  }
.LBB2_26:
0x22a: {  	s0 =	sadd.s32 s0, s12  }
0x22b: {  	s0 =	sshrl.u32 s0, $0x3  }
0x22c: {  	s0 =	sadd.s32 s6, s0  }
0x22d: {  	[tilespmem:s18], [sflag:$0x2] =	stream.linear.gather [hbm4b:s0+s2], $0x1900, $0x38;
	[tilespmem:$0x17300] =	vst v63  }
0x22e: {  	_ =	swait.ge [sflag:s19], $0x1900  }
0x22f: {  	[sflag:s19] =	ssyncset.done $0x0  }
0x230: {  	s26 =	simm.s32 $0x80;
	[sflag:s19] =	ssyncadd.s32 $0xFFFFE700  }
0x231: {  	v3 =	vld [tilespmem:s26+$0x0];
	_ =	sdelay $0x4  }
0x232: {  	v4 =	vld [tilespmem:s26+$0xFFFFFF80];
	v3 =	vadd.s32 v1, v3;
	_ =	sdelay $0x4  }
0x233: {  	v4 =	vadd.s32 v1, v4;
	[tilespmem:v3+s20+$0x0] =	vst.idx.add.f32.msk $0xffff, v2  }
0x234: {  	v3 =	vld [tilespmem:s26+$0x10];
	_ =	sdelay $0x3  }
0x235: {  	[tilespmem:v4+s20+$0x0] =	vst.idx.add.f32.msk $0xffff, v2  }
0x236: {  	v4 =	vld [tilespmem:s26+$0xFFFFFF90];
	v3 =	vadd.s32 v1, v3;
	_ =	sdelay $0x2  }
0x237: {  	s28 =	simm.s32 $0x180  }
0x238: {  	v5 =	vld [tilespmem:s28+$0x0]  }
0x239: {  	v4 =	vadd.s32 v1, v4;
	[tilespmem:v3+s20+$0x0] =	vst.idx.add.f32.msk $0xffff, v2  }
0x23a: {  	v3 =	vld [tilespmem:s26+$0x20];
	_ =	sdelay $0x2  }
0x23b: {  	v6 =	vld [tilespmem:s28+$0xFFFFFF80];
	v5 =	vadd.s32 v1, v5  }
0x23c: {  	[tilespmem:v4+s20+$0x0] =	vst.idx.add.f32.msk $0xffff, v2  }
0x23d: {  	v4 =	vld [tilespmem:s26+$0xFFFFFFA0];
	v3 =	vadd.s32 v1, v3;
	_ =	sdelay $0x2  }
0x23e: {  	v6 =	vadd.s32 v1, v6;
	[tilespmem:v5+s20+$0x0] =	vst.idx.add.f32.msk $0xffff, v2  }
0x23f: {  	v7 =	vld [tilespmem:s28+$0x10]  }
0x240: {  	v4 =	vadd.s32 v1, v4;
	[tilespmem:v3+s20+$0x0] =	vst.idx.add.f32.msk $0xffff, v2  }
0x241: {  	v3 =	vld [tilespmem:s26+$0x30];
	_ =	sdelay $0x1  }
0x242: {  	[tilespmem:v6+s20+$0x0] =	vst.idx.add.f32.msk $0xffff, v2  }
0x243: {  	v5 =	vld [tilespmem:s28+$0xFFFFFF90];
	v6 =	vadd.s32 v1, v7  }
0x244: {  	[tilespmem:v4+s20+$0x0] =	vst.idx.add.f32.msk $0xffff, v2  }
0x245: {  	v4 =	vld [tilespmem:s26+$0xFFFFFFB0];
	v3 =	vadd.s32 v1, v3  }
0x246: {  	p0 =	por p1, p1;
	s29 =	simm.s32 $0x2;
	s0 =	simm.s32 $0x280  }
.LBB2_27:
0x247: {  	v7 =	vld [tilespmem:s0+$0x0];
	s29 =	sadd.s32 $0x2, s29  }
0x248: {  	p1 =	slt.u32 s29, $0x30;
	v5 =	vadd.s32 v1, v5;
	[tilespmem:v6+s20+$0x0] =	vst.idx.add.f32.msk $0xffff, v2  }
0x249: {  	v6 =	vld [tilespmem:s28+$0x20]  }
0x24a: {  	v4 =	vadd.s32 v1, v4;
	[tilespmem:v3+s20+$0x0] =	vst.idx.add.f32.msk $0xffff, v2  }
0x24b: {  	v3 =	vld [tilespmem:s26+$0x40]  }
0x24c: {  	v8 =	vld [tilespmem:s0+$0xFFFFFF80];
	v7 =	vadd.s32 v1, v7  }
0x24d: {  	[tilespmem:v5+s20+$0x0] =	vst.idx.add.f32.msk $0xffff, v2  }
0x24e: {  	v5 =	vld [tilespmem:s28+$0xFFFFFFA0];
	v6 =	vadd.s32 v1, v6  }
0x24f: {  	[tilespmem:v4+s20+$0x0] =	vst.idx.add.f32.msk $0xffff, v2  }
0x250: {  	v4 =	vld [tilespmem:s26+$0xFFFFFFC0];
	v3 =	vadd.s32 v1, v3;
	s26 =	smov.u32 s28;
	s28 =	smov.u32 s0  }
0x251: {  	v8 =	vadd.s32 v1, v8;
	[tilespmem:v7+s20+$0x0] =	vst.idx.add.f32.msk $0xffff, v2  }
0x252: {  	v7 =	vld [tilespmem:s0+$0x10]  }
0x253: {  	v9 =	vadd.s32 v1, v5;
	[tilespmem:v6+s20+$0x0] =	vst.idx.add.f32.msk $0xffff, v2  }
0x254: {  	v10 =	vld [tilespmem:s26+$0x30]  }
0x255: {  	v11 =	vadd.s32 v1, v4;
	[tilespmem:v3+s20+$0x0] =	vst.idx.add.f32.msk $0xffff, v2  }
.Ltmp12:
0x256: {  	[tilespmem:v8+s20+$0x0] =	vst.idx.add.f32.msk $0xffff, v2;
	(pc) =	sbr.rel @p1 .LBB2_27-.Ltmp12, $4  }
0x257: {  	v5 =	vld [tilespmem:s0+$0xFFFFFF90];
	v6 =	vadd.s32 v1, v7  }
0x258: {  	[tilespmem:v9+s20+$0x0] =	vst.idx.add.f32.msk $0xffff, v2  }
0x259: {  	v4 =	vld [tilespmem:s26+$0xFFFFFFB0];
	v3 =	vadd.s32 v1, v10  }
0x25a: {  	s0 =	sadd.s32 $0x100, s0;
	[tilespmem:v11+s20+$0x0] =	vst.idx.add.f32.msk $0xffff, v2  }
0x25b: {  	_ = 	snop  }
0x25c: {  	v5 =	vadd.s32 v1, v5;
	_ =	sdelay $0x2  }
0x25d: {  	[tilespmem:v6+s20+$0x0] =	vst.idx.add.f32.msk $0xffff, v2  }
0x25e: {  	v6 =	vld [tilespmem:s28+$0x20]  }
0x25f: {  	[tilespmem:v5+s20+$0x0] =	vst.idx.add.f32.msk $0xffff, v2  }
0x260: {  	v5 =	vld [tilespmem:s28+$0xFFFFFFA0];
	_ =	sdelay $0x2  }
0x261: {  	v6 =	vadd.s32 v1, v6;
	_ =	sdelay $0x1  }
0x262: {  	v5 =	vadd.s32 v1, v5;
	_ =	sdelay $0x2  }
0x263: {  	[tilespmem:v6+s20+$0x0] =	vst.idx.add.f32.msk $0xffff, v2  }
0x264: {  	v6 =	vld [tilespmem:s28+$0x30]  }
0x265: {  	[tilespmem:v5+s20+$0x0] =	vst.idx.add.f32.msk $0xffff, v2  }
0x266: {  	v5 =	vld [tilespmem:s28+$0xFFFFFFB0]  }
0x267: {  	v4 =	vadd.s32 v1, v4;
	_ =	sdelay $0x1  }
0x268: {  	v6 =	vadd.s32 v1, v6  }
0x269: {  	[tilespmem:v3+s20+$0x0] =	vst.idx.add.f32.msk $0xffff, v2  }
0x26a: {  	v3 =	vld [tilespmem:s26+$0x40];
	v5 =	vadd.s32 v1, v5  }
0x26b: {  	[tilespmem:v4+s20+$0x0] =	vst.idx.add.f32.msk $0xffff, v2  }
0x26c: {  	v4 =	vld [tilespmem:s26+$0xFFFFFFC0]  }
0x26d: {  	[tilespmem:v6+s20+$0x0] =	vst.idx.add.f32.msk $0xffff, v2  }
0x26e: {  	v6 =	vld [tilespmem:s28+$0x40]  }
0x26f: {  	[tilespmem:v5+s20+$0x0] =	vst.idx.add.f32.msk $0xffff, v2  }
0x270: {  	v5 =	vld [tilespmem:s28+$0xFFFFFFC0];
	_ =	sdelay $0x1  }
0x271: {  	v3 =	vadd.s32 v1, v3  }
0x272: {  	v4 =	vadd.s32 v1, v4  }
0x273: {  	v6 =	vadd.s32 v1, v6  }
0x274: {  	v5 =	vadd.s32 v1, v5;
	_ =	sdelay $0x1  }
0x275: {  	[tilespmem:v3+s20+$0x0] =	vst.idx.add.f32.msk $0xffff, v2  }
0x276: {  	[tilespmem:v4+s20+$0x0] =	vst.idx.add.f32.msk $0xffff, v2  }
0x277: {  	[tilespmem:v6+s20+$0x0] =	vst.idx.add.f32.msk $0xffff, v2  }
0x278: {  	s0 =	simm.s32 @p0 $0x0;
	[tilespmem:v5+s20+$0x0] =	vst.idx.add.f32.msk $0xffff, v2  }
0x279: {  	[tilespmem:s0], [sflag:$0x1] =	stream.linear.gather @p0 [hbm4b:s15+s0], $0x1900, $0x38;
	[tilespmem:$0x17300] =	vst v63  }
0x27a: {  	_ =	swait.ge [sflag:s21], $0x1900  }
0x27b: {  	[sflag:s21] =	ssyncset.done $0x0  }
0x27c: {  	s26 =	simm.s32 $0x2600;
	[sflag:s21] =	ssyncadd.s32 $0xFFFFE700  }
0x27d: {  	v3 =	vld [tilespmem:s26+$0x0];
	_ =	sdelay $0x4  }
0x27e: {  	v4 =	vld [tilespmem:s26+$0xFFFFFF80];
	v3 =	vadd.s32 v1, v3;
	_ =	sdelay $0x4  }
0x27f: {  	v4 =	vadd.s32 v1, v4;
	[tilespmem:v3+s20+$0x0] =	vst.idx.add.f32.msk $0xffff, v2  }
0x280: {  	v3 =	vld [tilespmem:s26+$0x10];
	_ =	sdelay $0x3  }
0x281: {  	[tilespmem:v4+s20+$0x0] =	vst.idx.add.f32.msk $0xffff, v2  }
0x282: {  	v4 =	vld [tilespmem:s26+$0xFFFFFF90];
	v3 =	vadd.s32 v1, v3;
	_ =	sdelay $0x2  }
0x283: {  	s28 =	simm.s32 $0x2700  }
0x284: {  	v5 =	vld [tilespmem:s28+$0x0]  }
0x285: {  	v4 =	vadd.s32 v1, v4;
	[tilespmem:v3+s20+$0x0] =	vst.idx.add.f32.msk $0xffff, v2  }
0x286: {  	v3 =	vld [tilespmem:s26+$0x20];
	_ =	sdelay $0x2  }
0x287: {  	v6 =	vld [tilespmem:s28+$0xFFFFFF80];
	v5 =	vadd.s32 v1, v5  }
0x288: {  	[tilespmem:v4+s20+$0x0] =	vst.idx.add.f32.msk $0xffff, v2  }
0x289: {  	v4 =	vld [tilespmem:s26+$0xFFFFFFA0];
	v3 =	vadd.s32 v1, v3;
	_ =	sdelay $0x2  }
0x28a: {  	v6 =	vadd.s32 v1, v6;
	[tilespmem:v5+s20+$0x0] =	vst.idx.add.f32.msk $0xffff, v2  }
0x28b: {  	v7 =	vld [tilespmem:s28+$0x10]  }
0x28c: {  	v4 =	vadd.s32 v1, v4;
	[tilespmem:v3+s20+$0x0] =	vst.idx.add.f32.msk $0xffff, v2  }
0x28d: {  	v3 =	vld [tilespmem:s26+$0x30];
	_ =	sdelay $0x1  }
0x28e: {  	[tilespmem:v6+s20+$0x0] =	vst.idx.add.f32.msk $0xffff, v2  }
0x28f: {  	v5 =	vld [tilespmem:s28+$0xFFFFFF90];
	v6 =	vadd.s32 v1, v7  }
0x290: {  	[tilespmem:v4+s20+$0x0] =	vst.idx.add.f32.msk $0xffff, v2  }
0x291: {  	v4 =	vld [tilespmem:s26+$0xFFFFFFB0];
	v3 =	vadd.s32 v1, v3  }
0x292: {  	s29 =	simm.s32 $0x2;
	s0 =	simm.s32 $0x2800  }
.LBB2_29:
0x293: {  	v7 =	vld [tilespmem:s0+$0x0];
	s29 =	sadd.s32 $0x2, s29  }
0x294: {  	p1 =	slt.u32 s29, $0x30;
	v5 =	vadd.s32 v1, v5;
	[tilespmem:v6+s20+$0x0] =	vst.idx.add.f32.msk $0xffff, v2  }
0x295: {  	v6 =	vld [tilespmem:s28+$0x20]  }
0x296: {  	v4 =	vadd.s32 v1, v4;
	[tilespmem:v3+s20+$0x0] =	vst.idx.add.f32.msk $0xffff, v2  }
0x297: {  	v3 =	vld [tilespmem:s26+$0x40]  }
0x298: {  	v8 =	vld [tilespmem:s0+$0xFFFFFF80];
	v7 =	vadd.s32 v1, v7  }
0x299: {  	[tilespmem:v5+s20+$0x0] =	vst.idx.add.f32.msk $0xffff, v2  }
0x29a: {  	v5 =	vld [tilespmem:s28+$0xFFFFFFA0];
	v6 =	vadd.s32 v1, v6  }
0x29b: {  	[tilespmem:v4+s20+$0x0] =	vst.idx.add.f32.msk $0xffff, v2  }
0x29c: {  	v4 =	vld [tilespmem:s26+$0xFFFFFFC0];
	v3 =	vadd.s32 v1, v3;
	s26 =	smov.u32 s28;
	s28 =	smov.u32 s0  }
0x29d: {  	v8 =	vadd.s32 v1, v8;
	[tilespmem:v7+s20+$0x0] =	vst.idx.add.f32.msk $0xffff, v2  }
0x29e: {  	v7 =	vld [tilespmem:s0+$0x10]  }
0x29f: {  	v9 =	vadd.s32 v1, v5;
	[tilespmem:v6+s20+$0x0] =	vst.idx.add.f32.msk $0xffff, v2  }
0x2a0: {  	v10 =	vld [tilespmem:s26+$0x30]  }
0x2a1: {  	v11 =	vadd.s32 v1, v4;
	[tilespmem:v3+s20+$0x0] =	vst.idx.add.f32.msk $0xffff, v2  }
.Ltmp13:
0x2a2: {  	[tilespmem:v8+s20+$0x0] =	vst.idx.add.f32.msk $0xffff, v2;
	(pc) =	sbr.rel @p1 .LBB2_29-.Ltmp13, $4  }
0x2a3: {  	v5 =	vld [tilespmem:s0+$0xFFFFFF90];
	v6 =	vadd.s32 v1, v7  }
0x2a4: {  	[tilespmem:v9+s20+$0x0] =	vst.idx.add.f32.msk $0xffff, v2  }
0x2a5: {  	v4 =	vld [tilespmem:s26+$0xFFFFFFB0];
	v3 =	vadd.s32 v1, v10  }
0x2a6: {  	s0 =	sadd.s32 $0x100, s0;
	[tilespmem:v11+s20+$0x0] =	vst.idx.add.f32.msk $0xffff, v2  }
0x2a7: {  	_ = 	snop  }
0x2a8: {  	v5 =	vadd.s32 v1, v5;
	_ =	sdelay $0x2  }
0x2a9: {  	[tilespmem:v6+s20+$0x0] =	vst.idx.add.f32.msk $0xffff, v2  }
0x2aa: {  	v6 =	vld [tilespmem:s28+$0x20]  }
0x2ab: {  	[tilespmem:v5+s20+$0x0] =	vst.idx.add.f32.msk $0xffff, v2  }
0x2ac: {  	v5 =	vld [tilespmem:s28+$0xFFFFFFA0];
	_ =	sdelay $0x2  }
0x2ad: {  	v6 =	vadd.s32 v1, v6;
	_ =	sdelay $0x1  }
0x2ae: {  	v5 =	vadd.s32 v1, v5;
	_ =	sdelay $0x2  }
0x2af: {  	[tilespmem:v6+s20+$0x0] =	vst.idx.add.f32.msk $0xffff, v2  }
0x2b0: {  	v6 =	vld [tilespmem:s28+$0x30]  }
0x2b1: {  	[tilespmem:v5+s20+$0x0] =	vst.idx.add.f32.msk $0xffff, v2  }
0x2b2: {  	v5 =	vld [tilespmem:s28+$0xFFFFFFB0]  }
0x2b3: {  	v4 =	vadd.s32 v1, v4;
	_ =	sdelay $0x1  }
0x2b4: {  	v6 =	vadd.s32 v1, v6  }
0x2b5: {  	[tilespmem:v3+s20+$0x0] =	vst.idx.add.f32.msk $0xffff, v2  }
0x2b6: {  	v3 =	vld [tilespmem:s26+$0x40];
	v5 =	vadd.s32 v1, v5  }
0x2b7: {  	[tilespmem:v4+s20+$0x0] =	vst.idx.add.f32.msk $0xffff, v2  }
0x2b8: {  	v4 =	vld [tilespmem:s26+$0xFFFFFFC0]  }
0x2b9: {  	[tilespmem:v6+s20+$0x0] =	vst.idx.add.f32.msk $0xffff, v2  }
0x2ba: {  	v6 =	vld [tilespmem:s28+$0x40]  }
0x2bb: {  	[tilespmem:v5+s20+$0x0] =	vst.idx.add.f32.msk $0xffff, v2  }
0x2bc: {  	v5 =	vld [tilespmem:s28+$0xFFFFFFC0];
	_ =	sdelay $0x1  }
0x2bd: {  	v3 =	vadd.s32 v1, v3  }
0x2be: {  	v4 =	vadd.s32 v1, v4  }
0x2bf: {  	v6 =	vadd.s32 v1, v6  }
0x2c0: {  	v5 =	vadd.s32 v1, v5  }
.Ltmp14:
0x2c1: {  	_ = 	snop;
	(pc) =	sbr.rel @p0 .LBB2_26-.Ltmp14, $4  }
0x2c2: {  	[tilespmem:v3+s20+$0x0] =	vst.idx.add.f32.msk $0xffff, v2  }
0x2c3: {  	[tilespmem:v4+s20+$0x0] =	vst.idx.add.f32.msk $0xffff, v2  }
0x2c4: {  	[tilespmem:v6+s20+$0x0] =	vst.idx.add.f32.msk $0xffff, v2  }
0x2c5: {  	s0 =	simm.s32 $0x3200;
	p1 =	por $0x0, $0x0;
	[tilespmem:v5+s20+$0x0] =	vst.idx.add.f32.msk $0xffff, v2  }
0x2c6: {  	s25 =	sadd.s32 $0x1, s25  }
0x2c7: {  	p0 =	sne.s32 s25, s17  }
.Ltmp15:
0x2c8: {  	_ = 	snop;
	(pc) =	sbr.rel @p0 .LBB2_1-.Ltmp15, $4  }
0x2c9: {  	[hbm4b:s16+s22] =	stream.strided.scatter [tilespmem:s20], [sflag:$0x3], $0x12800, s23, s22, $0x38;
	[tilespmem:$0x17300] =	vst v63  }
0x2ca: {  	_ =	swait.ge [sflag:s24], $0x12800  }
0x2cb: {  	[sflag:s24] =	ssyncset.done $0x0  }
0x2cc: {  	[sflag:s24] =	ssyncadd.s32 $0xFFFED800  }
0x2cd: {  	_ =	sfence.sel $0x180000  }
0x2ce: {  	[bflag:$0x0] =	sbarrier.arrive $0xFFFF  }
0x2cf: {  	_ =	strace $0x90000047  }
0x2d0: {  	[bflag:$0x2] =	sbarrier.arrive $0xFFFF  }
0x2d1: {  	p0 =	sne.s32 s1, $0x0;
	s0 =	rddreg [dreg:$0x1]  }
0x2d2: {  	s0 =	sadd.s32 @!p0 $0x100000, s0  }
0x2d3: {  	[sflag:s0] =	ssyncadd.tile.s32 @!p0 $0x1;
	_ =	shalt  }
.Lfunc_end2:
_tile_overlayer_lowered:
.L_overlay_start_2:
0x2d4: {  	(tag) =	ssettag $0x2  }
0x2d5: {  	s0 =	rddreg [dreg:$0x0];
	s2 =	stileid.u32  }
0x2d6: {  	s1 =	rddreg [dreg:$0x1];
	p0 =	sne.s32 s2, $0x0  }
0x2d7: {  	s3 =	rddreg [dreg:$0x2];
	[bflag:$0x3] =	sbarrier.arrive $0xFFFF;
	s2 =	simm.s32 @!p0 $0x1C03  }
0x2d8: {  	[timem:s3], [sflag:s2] =	dma.local @!p0 [hbm:s0], s1  }
0x2d9: {  	s0 =	simm.s32 @!p0 $0x3  }
0x2da: {  	_ =	swait.ge @!p0 [sflag:s0], s1  }
0x2db: {  	s1 =	ssub.s32 @!p0 $0x0, s1;
	[sflag:s0] =	ssyncset.done @!p0 $0x0  }
0x2dc: {  	[sflag:s0] =	ssyncadd.s32 @!p0 s1  }
0x2dd: {  	[bflag:$0x3] =	sbarrier.arrive $0xFFFF  }
0x2de: {  	_ =	shalt  }

</sc_bundles>
